<compile_context>
chip_gen: v7x
topology: tpu7x:2x2x1
jax: 0.10.2.dev20260603
libtpu: 0.0.44.dev20260713+nightly
codegen_flags: <defaults>
</compile_context>

<pallas_src>
import jax
import jax.numpy as jnp
from jax.experimental import pallas as pl
from jax.experimental.pallas import tpu as pltpu

N = 50000
E = 800000


def _scale_kernel(dinv_ref, h_ref, o_ref):
    o_ref[...] = h_ref[...] * dinv_ref[...]


def _scale(dinv, h):
    return pl.pallas_call(
        _scale_kernel,
        out_shape=jax.ShapeDtypeStruct(h.shape, h.dtype),
        grid=(h.shape[0] // 1000,),
        in_specs=[
            pl.BlockSpec((1000, 1), lambda i: (i, 0)),
            pl.BlockSpec((1000, h.shape[1]), lambda i: (i, 0)),
        ],
        out_specs=pl.BlockSpec((1000, h.shape[1]), lambda i: (i, 0)),
    )(dinv[:, None], h)


def kernel(z, edge_index, W1, b1, W2, b2):
    src = edge_index[0]
    dst = edge_index[1]
    ones = jnp.ones((E,), dtype=jnp.float32)
    deg = jax.ops.segment_sum(ones, dst, num_segments=N) + 1.0
    dinv = jax.lax.rsqrt(deg)

    def conv(x, W, b):
        h = x @ W
        hp = _scale(dinv, h)
        s = jax.ops.segment_sum(hp[src], dst, num_segments=N)
        return _scale(dinv, s + _scale(dinv, h)) + b

    h = jax.nn.relu(conv(z, W1, b1))
    return conv(h, W2, b2)

# --- scband reference (transcript-rebuilt; emitter-appended) ---
"""Pipeline reference for scband-attribute-decoder-23871428231491 (READ-ONLY COPY).

The authoritative reference and input builder live on the scoring server;
editing this copy changes nothing except your own understanding.
"""

import jax, jax.numpy as jnp
import numpy as np

N_NODES = 50000
N_EDGES = 800000
IN_DIM = 64
HID_DIM = 128
OUT_DIM = 128


def setup_inputs(seed: int = 0) -> dict:
    key = jax.random.key(seed)
    k1, k2, k3, k4, k5, k6 = jax.random.split(key, 6)
    z = jax.random.normal(k1, (N_NODES, IN_DIM), dtype=jnp.float32)
    edge_index = jax.random.randint(k2, (2, N_EDGES), 0, N_NODES, dtype=jnp.int32)
    W1 = jax.random.normal(k3, (IN_DIM, HID_DIM), dtype=jnp.float32) * (1.0 / np.sqrt(IN_DIM))
    b1 = jnp.zeros((HID_DIM,), dtype=jnp.float32)
    W2 = jax.random.normal(k4, (HID_DIM, OUT_DIM), dtype=jnp.float32) * (1.0 / np.sqrt(HID_DIM))
    b2 = jnp.zeros((OUT_DIM,), dtype=jnp.float32)
    return {"z": z, "edge_index": edge_index, "W1": W1, "b1": b1, "W2": W2, "b2": b2}


def _gcn_conv(x, edge_index, W, b):
    # PyG GCNConv with add_self_loops=True and symmetric normalization
    n = x.shape[0]
    src = edge_index[0]
    dst = edge_index[1]
    loop = jnp.arange(n, dtype=src.dtype)
    src = jnp.concatenate([src, loop])
    dst = jnp.concatenate([dst, loop])
    ones = jnp.ones(src.shape[0], dtype=jnp.float32)
    deg = jax.ops.segment_sum(ones, dst, num_segments=n)
    deg_inv_sqrt = jnp.where(deg > 0, jax.lax.rsqrt(jnp.maximum(deg, 1e-12)), 0.0)
    norm = deg_inv_sqrt[src] * deg_inv_sqrt[dst]
    h = x @ W
    msg = h[src] * norm[:, None]
    out = jax.ops.segment_sum(msg, dst, num_segments=n)
    return out + b


def reference(z, edge_index, W1, b1, W2, b2):
    h = _gcn_conv(z, edge_index, W1, b1)
    h = jax.nn.relu(h)
    x_hat = _gcn_conv(h, edge_index, W2, b2)
    return x_hat

if __name__ == "__main__":
    import jax
    _d = setup_inputs()
    print(jax.jit(kernel)(*tuple(_d.values())))

</pallas_src>

<mosaic_0001>
module attributes {stable_mosaic.version = 14 : i64} {
  func.func @_scale_kernel(%arg0: i32, %arg1: memref<1000x1xf32, #tpu.memory_space<vmem>>, %arg2: memref<1000x128xf32, #tpu.memory_space<vmem>>, %arg3: memref<1000x128xf32, #tpu.memory_space<vmem>>) attributes {dimension_semantics = [#tpu.dimension_semantics<arbitrary>], iteration_bounds = array<i64: 50>, scalar_prefetch = 0 : i64, scratch_operands = 0 : i64, tpu.core_type = #tpu.core_type<tc>, window_params = [{transform_indices = @transform_0, window_bounds = array<i64: 1000, 1>}, {transform_indices = @transform_1, window_bounds = array<i64: 1000, 128>}, {transform_indices = @transform_2, window_bounds = array<i64: 1000, 128>}]} {
    %get3A = arith.constant 0 : index
    %get3A_0 = arith.constant 0 : index
    %get3A_1 = vector.load %arg2[%get3A, %get3A_0] : memref<1000x128xf32, #tpu.memory_space<vmem>>, vector<1000x128xf32>
    %get3A_2 = arith.constant 0 : index
    %get3A_3 = arith.constant 0 : index
    %get3A_4 = vector.load %arg1[%get3A_2, %get3A_3] : memref<1000x1xf32, #tpu.memory_space<vmem>>, vector<1000x1xf32>
    %mul3A = vector.broadcast %get3A_4 : vector<1000x1xf32> to vector<1000x128xf32>
    %mul3A_5 = arith.mulf %get3A_1, %mul3A : vector<1000x128xf32>
    %swap3A = arith.constant 0 : index
    %swap3A_6 = arith.constant 0 : index
    %swap3A_7 = vector.load %arg3[%swap3A, %swap3A_6] : memref<1000x128xf32, #tpu.memory_space<vmem>>, vector<1000x128xf32>
    tpu.vector_store %arg3[%swap3A, %swap3A_6], %mul3A_5 {strides = array<i32>} : memref<1000x128xf32, #tpu.memory_space<vmem>>, vector<1000x128xf32>,
    return
  }
  func.func @transform_0(%arg0: i32) -> (i32, i32) {
    %c0_i32 = arith.constant 0 : i32
    %c0_i32_0 = arith.constant 0 : i32
    return %arg0, %c0_i32 : i32, i32
  }
  func.func @transform_1(%arg0: i32) -> (i32, i32) {
    %c0_i32 = arith.constant 0 : i32
    %c0_i32_0 = arith.constant 0 : i32
    return %arg0, %c0_i32 : i32, i32
  }
  func.func @transform_2(%arg0: i32) -> (i32, i32) {
    %c0_i32 = arith.constant 0 : i32
    %c0_i32_0 = arith.constant 0 : i32
    return %arg0, %c0_i32 : i32, i32
  }
}

</mosaic_0001>

<sc_bundles>
// kernel: scatter_offload_async_start.1
scs
__scs_entry_jumppad:
0x0: {  	(pc) =	sbr.rel $0x88, $3  }
0x1: {  	(tag) =	ssettag $0x0;
	lr =	simm.s32 $0x1  }
0x2: {  	[smem:$0x3F9B] =	sst lr;
	_ =	strace $0xD0000000  }
0x3: {  	_ = 	snop  }
0x4: {  	_ = 	snop  }
0x5: {  	_ = 	snop  }
0x6: {  	_ = 	snop  }
0x7: {  	_ = 	snop  }
__scs_overlays_trampoline_lowered:
0x8: {  	[smem:$0x3FAA] =	sst s0  }
0x9: {  	[smem:$0x3FAB] =	sst s1  }
0xa: {  	[smem:$0x3FAC] =	sst s2  }
0xb: {  	[smem:$0x3FAD] =	sst s3  }
0xc: {  	[smem:$0x3FAE] =	sst s4  }
0xd: {  	[smem:$0x3FAF] =	sst s5  }
0xe: {  	[smem:$0x3FB0] =	sst s6  }
0xf: {  	[smem:$0x3FB1] =	sst s7  }
0x10: {  	[smem:$0x3FB2] =	sst s8  }
0x11: {  	[smem:$0x3FB3] =	sst s9;
	s0 =	simm.s32 @!p0 $0x0  }
0x12: {  	s1 =	sld [smem:$0x3F99];
	s0 =	simm.s32 @p0 $0x1  }
0x13: {  	[smem:$0x3FB4] =	sst s0;
	s0 =	simm.s32 @!p1 $0x0  }
0x14: {  	s2 =	sld [smem:$0x3F98];
	s0 =	simm.s32 @p1 $0x1  }
0x15: {  	[smem:$0x3FB5] =	sst s0;
	s0 =	simm.s32 @!p2 $0x0  }
0x16: {  	s3 =	sld [smem:$0x3FDB];
	s0 =	simm.s32 @p2 $0x1  }
0x17: {  	s4 =	simm.s32 $0x1BF5;
	[smem:$0x3FB7] =	sst s0  }
0x18: {  	s0 =	sld [smem:$0x3F9A];
	_ =	swait.ge [sflag:s4], $0x0  }
0x19: {  	s7 =	sld [smem:$0x3F9B]  }
0x1a: {  	s8 =	sadd.s32 $0xFFFFE003, lr  }
0x1b: {  	s9 =	sadd.s32 $0xFFFFFEF7, lr;
	s5 =	simm.s32 $0xFFFFFFFF;
	p2 =	slt.u32 s8, $0xFFFFF086  }
0x1c: {  	p1 =	slt.u32 s9, $0xF7A;
	s5 =	simm.s32 @!p2 $0x0  }
0x1d: {  	s5 =	simm.s32 @p1 $0x1;
	p0 =	seq.s32 s7, s2  }
0x1e: {  	s7 =	smul.u32 @!p0 $0xF7A, s2;
	p2 =	seq.s32 @!p0 s5, $0x0  }
0x1f: {  	s9 =	smul.u32 $0xF7A, s1;
	s8 =	simm.s32 @!p0 $0x1BF5;
	p2 =	por !p2, p0  }
0x20: {  	[sflag:s8] =	ssyncset.s32 @!p0 $0xFFFFF086;
	s6 =	sadd.s32 @!p0 s3, s7;
	s7 =	simm.s32 @!p0 $0x108  }
0x21: {  	s3 =	sadd.s32 s3, s9;
	s6 =	sadd.s32 @!p0 $0x88, s6;
	s7 =	simm.s32 @p2 $0x1082  }
0x22: {  	[simem:s7], [sflag:s8] =	dma.local @!p0 [hbm:s6], $0xF7A  }
0x23: {  	s9 =	sor.u32 $0xD0000000, s2;
	s6 =	simm.s32 $0x108;
	_ =	swait.ge @!p0 [sflag:s8], $0x0  }
0x24: {  	s3 =	sadd.s32 $0x88, s3;
	s6 =	simm.s32 @!p1 $0x1082;
	[sflag:s4] =	ssyncset.s32 $0xFFFFF086  }
0x25: {  	[simem:s6], [sflag:s4] =	dma.local [hbm:s3], $0xF7A  }
0x26: {  	[smem:$0x3F9B] =	sst s1;
	(tag) =	ssettag s2;
	_ =	strace s9  }
0x27: {  	s1 =	sld [smem:$0x3FAB]  }
0x28: {  	s2 =	sld [smem:$0x3FAC]  }
0x29: {  	s4 =	sld [smem:$0x3FAE]  }
0x2a: {  	p0 =	seq.s32 s5, $0x0;
	s5 =	sld [smem:$0x3FAF]  }
0x2b: {  	s6 =	sld [smem:$0x3FB0]  }
0x2c: {  	s7 =	sld [smem:$0x3FB1]  }
0x2d: {  	s3 =	simm.s32 $0x108;
	s8 =	sld [smem:$0x3FB2]  }
0x2e: {  	s3 =	simm.s32 @!p0 $0x1082;
	s9 =	sld [smem:$0x3FB3]  }
0x2f: {  	lr =	sadd.s32 s0, s3;
	s0 =	sld [smem:$0x3FAA]  }
0x30: {  	s3 =	sld [smem:$0x3FAD]  }
0x31: {  	[smem:$0x3FB6] =	sst s10  }
0x32: {  	s10 =	sld [smem:$0x3FB4];
	_ =	sdelay $0x3  }
0x33: {  	p0 =	seq.s32 s10, $0x1;
	s10 =	sld [smem:$0x3FB6];
	_ =	sdelay $0x3  }
0x34: {  	[smem:$0x3FB6] =	sst s10  }
0x35: {  	s10 =	sld [smem:$0x3FB5];
	_ =	sdelay $0x3  }
0x36: {  	p1 =	seq.s32 s10, $0x1;
	s10 =	sld [smem:$0x3FB6];
	_ =	sdelay $0x3  }
0x37: {  	[smem:$0x3FB6] =	sst s10  }
0x38: {  	s10 =	sld [smem:$0x3FB7]  }
0x39: {  	_ = 	snop;
	(pc) =	sbr.ind lr, $3  }
0x3a: {  	_ = 	snop  }
0x3b: {  	_ = 	snop  }
0x3c: {  	p2 =	seq.s32 s10, $0x1;
	s10 =	sld [smem:$0x3FB6]  }
0x3d: {  	_ =	shalt  }
0x3e: {  	_ =	shalt  }
0x3f: {  	_ =	shalt  }
0x40: {  	_ =	shalt  }
0x41: {  	_ =	shalt  }
0x42: {  	_ =	shalt  }
0x43: {  	_ =	shalt  }
0x44: {  	_ =	shalt  }
0x45: {  	_ =	shalt  }
0x46: {  	_ =	shalt  }
0x47: {  	_ =	shalt  }
0x48: {  	_ =	shalt  }
0x49: {  	_ =	shalt  }
0x4a: {  	_ =	shalt  }
0x4b: {  	_ =	shalt  }
0x4c: {  	_ =	shalt  }
0x4d: {  	_ =	shalt  }
0x4e: {  	_ =	shalt  }
0x4f: {  	_ =	shalt  }
0x50: {  	_ =	shalt  }
0x51: {  	_ =	shalt  }
0x52: {  	_ =	shalt  }
0x53: {  	_ =	shalt  }
0x54: {  	_ =	shalt  }
0x55: {  	_ =	shalt  }
0x56: {  	_ =	shalt  }
0x57: {  	_ =	shalt  }
0x58: {  	_ =	shalt  }
0x59: {  	_ =	shalt  }
0x5a: {  	_ =	shalt  }
0x5b: {  	_ =	shalt  }
0x5c: {  	_ =	shalt  }
0x5d: {  	_ =	shalt  }
0x5e: {  	_ =	shalt  }
0x5f: {  	_ =	shalt  }
0x60: {  	_ =	shalt  }
0x61: {  	_ =	shalt  }
0x62: {  	_ =	shalt  }
0x63: {  	_ =	shalt  }
0x64: {  	_ =	shalt  }
0x65: {  	_ =	shalt  }
0x66: {  	_ =	shalt  }
0x67: {  	_ =	shalt  }
0x68: {  	_ =	shalt  }
0x69: {  	_ =	shalt  }
0x6a: {  	_ =	shalt  }
0x6b: {  	_ =	shalt  }
0x6c: {  	_ =	shalt  }
0x6d: {  	_ =	shalt  }
0x6e: {  	_ =	shalt  }
0x6f: {  	_ =	shalt  }
0x70: {  	_ =	shalt  }
0x71: {  	_ =	shalt  }
0x72: {  	_ =	shalt  }
0x73: {  	_ =	shalt  }
0x74: {  	_ =	shalt  }
0x75: {  	_ =	shalt  }
0x76: {  	_ =	shalt  }
0x77: {  	_ =	shalt  }
0x78: {  	_ =	shalt  }
0x79: {  	_ =	shalt  }
0x7a: {  	_ =	shalt  }
0x7b: {  	_ =	shalt  }
0x7c: {  	_ =	shalt  }
0x7d: {  	_ =	shalt  }
0x7e: {  	_ =	shalt  }
0x7f: {  	_ =	shalt  }
0x80: {  	_ =	shalt  }
0x81: {  	_ =	shalt  }
0x82: {  	_ =	shalt  }
0x83: {  	_ =	shalt  }
0x84: {  	_ =	shalt  }
0x85: {  	_ =	shalt  }
0x86: {  	_ =	shalt  }
0x87: {  	_ =	shalt  }
.Lfunc_end0:
.L_simem_size_0:
called_computation.1_lowered:
.L_overlay_start_0:
0x88: {  	s2 =	sld [smem:$0x3FD9]  }
0x89: {  	s3 =	sld [smem:$0x3FFE];
	_ =	sdelay $0x1  }
0x8a: {  	s1 =	srdreg.scid  }
0x8b: {  	s0 =	sand.u32 $0x1, s1  }
0x8c: {  	s15 =	sshll.u32 s0, $0xA;
	s2 =	sadd.s32 s3, s2  }
0x8d: {  	s2 =	sadd.s32 s2, s15  }
0x8e: {  	[smem:$0x3FC2] =	sst s2  }
0x8f: {  	_ = 	snop  }
0x90: {  	(tm) =	ssettm $0x1  }
0x91: {  	s16 =	sld [smem:$0x3FFB];
	_ =	sdelay $0x3  }
0x92: {  	_ =	strace s16  }
0x93: {  	s2 =	sld [smem:$0x3FFC];
	_ =	sdelay $0x3  }
0x94: {  	_ =	strace s2  }
0x95: {  	s2 =	sld [smem:$0x3FFD];
	_ =	sdelay $0x3  }
0x96: {  	_ =	strace s2  }
0x97: {  	_ =	strace $0x8FFFFFFF  }
0x98: {  	s17 =	sld [smem:$0x3FDB];
	_ =	sdelay $0x1  }
0x99: {  	s18 =	simm.s32 $_scs_section_size  }
0x9a: {  	s4 =	simm.s32 $_size__tile_overlayer_lowered;
	s5 =	simm.s32 $_tile_overlayer_lowered  }
0x9b: {  	s21 =	simm.s32 $0x1BFF;
	s20 =	sshll.u32 s5, $0x1;
	s2 =	sadd.s32 s18, s17  }
0x9c: {  	s6 =	simm.s32 $0x0;
	s19 =	sshll.u32 s4, $0x1;
	s4 =	sadd.s32 s20, s2  }
0x9d: {  	[timem:s6], [sflag:s21] =	dma.local [hbm:s4], s19  }
0x9e: {  	_ =	swait.ge [sflag:s21], s19  }
0x9f: {  	s3 =	ssub.s32 $0x0, s19;
	[sflag:s21] =	ssyncset.done $0x0  }
0xa0: {  	[sflag:s21] =	ssyncadd.s32 s3;
	_ =	sdelay $0x1  }
0xa1: {  	s22 =	simm.s32 $0x1B8B  }
0xa2: {  	_ =	swait.ge [sflag:s22], $0x1  }
0xa3: {  	[sflag:s22] =	ssyncset.done $0x0  }
0xa4: {  	s23 =	sld [smem:$0x3FFE];
	[sflag:s22] =	ssyncadd.s32 $0xFFFFFFFF  }
0xa5: {  	s25 =	simm.s32 $0x1B8E;
	s24 =	sld [smem:$0x0]  }
0xa6: {  	s26 =	simm.s32 $execute0_lowered;
	[smem:$0x3FD2] =	sst s25  }
0xa7: {  	s5 =	sshll.u32 s26, $0x1;
	_ =	strace $0x80000049;
	[dreg:$0x1] =	wrdreg $0xFFFFFFFF  }
0xa8: {  	s28 =	simm.s32 $_size_execute0_lowered;
	s2 =	sadd.s32 s2, s5;
	[dreg:$0x0] =	wrdreg $0x0  }
0xa9: {  	s5 =	sshll.u32 s28, $0x1;
	[dreg:$0x2] =	wrdreg s2  }
0xaa: {  	[dreg:$0x3] =	wrdreg s5  }
0xab: {  	[dreg:$0x4] =	wrdreg $0xC0  }
0xac: {  	_ =	task [dreg:s6], $0x5FFFF  }
0xad: {  	[dreg:$0x1] =	wrdreg $0xFFFFFFFF  }
0xae: {  	[dreg:$0x0] =	wrdreg $0x60  }
0xaf: {  	[dreg:$0x2] =	wrdreg s23  }
0xb0: {  	[dreg:$0x3] =	wrdreg s1  }
0xb1: {  	[dreg:$0x4] =	wrdreg s24  }
0xb2: {  	[dreg:$0x5] =	wrdreg $0x9  }
0xb3: {  	_ =	task.clear_ibuf [dreg:s6], $0x6FFFF;
	_ =	strace $0x90000049  }
0xb4: {  	s29 =	simm.s32 $0x9;
	_ =	strace $0x8000004B  }
0xb5: {  	_ =	swait.ge [sflag:s29], $0x1  }
0xb6: {  	[sflag:s29] =	ssyncadd.s32 $0xFFFFFFFF  }
0xb7: {  	_ =	strace $0x9000004B  }
0xb8: {  	_ =	sfence  }
0xb9: {  	s30 =	sld [smem:$0x0];
	_ =	sdelay $0x2  }
0xba: {  	s31 =	sshll.u32 s1, $0xD;
	s1 =	sshrl.u32 s1, $0x2  }
0xbb: {  	s3 =	sand.u32 $0x4000, s31;
	s1 =	sadd.s32 s1, s30  }
0xbc: {  	s0 =	sor.u32 s3, s0;
	s1 =	sshll.u32 s1, $0x11  }
0xbd: {  	s0 =	sor.u32 s1, s0  }
0xbe: {  	s0 =	sadd.s32 $0x8F2B, s0  }
0xbf: {  	[sflag:s0] =	ssyncadd.remote.s32 $0x1  }
0xc0: {  	_ =	sfence.sel $0xFFFF  }
0xc1: {  	[dreg:$0x0] =	wrdreg $0xFFFFFFFF;
	(pc) =	sbr.abs _section_cstart, $3  }
0xc2: {  	[dreg:$0x1] =	wrdreg $0xFFFFFFFF  }
0xc3: {  	_ =	task.clear_ibuf [dreg:s6], $0x2FFFF;
	_ =	strace $0x9FFFFFFF  }
0xc4: {  	(tm) =	ssettm $0x7FFFFFFF  }
0xc5: {  	_ =	shalt  }
tec
execute0_lowered:
.L_overlay_start_1:
0x0: {  	(tag) =	ssettag $0x1  }
0x1: {  	s2 =	rddreg [dreg:$0x0]  }
0x2: {  	s3 =	rddreg [dreg:$0x1];
	_ =	strace $0x8000004A;
	s0 =	simm.s32 $0x1  }
0x3: {  	v0 =	vimm.s32 $0x0;
	[sflag:s0] =	ssyncpa.u1 $0x0;
	s0 =	simm.s32 $0x108  }
0x4: {  	[tilespmem:s0+$0x70] =	vst v0  }
0x5: {  	[tilespmem:s0+$0x60] =	vst v0  }
0x6: {  	[tilespmem:s0+$0x50] =	vst v0  }
0x7: {  	[tilespmem:s0+$0x40] =	vst v0  }
0x8: {  	[tilespmem:s0+$0x30] =	vst v0  }
0x9: {  	s1 =	sadd.s32 $0x127000, s2;
	s15 =	sadd.s32 $0x18800, s2;
	s6 =	sadd.s32 $0x1EA600, s2;
	[tilespmem:s0+$0x20] =	vst v0  }
0xa: {  	s14 =	sadd.s32 $0x31000, s2;
	s5 =	sand.u32 $0x1, s3;
	s3 =	simm.s32 $0x40;
	[tilespmem:s0+$0x10] =	vst v0  }
.LBB2_1:
0xb: {  	s3 =	sadd.s32 $0x40, s3;
	[tilespmem:s0+$0x0] =	vst v0;
	s0 =	sadd.s32 $0x80, s0  }
0xc: {  	p0 =	slt.u32 s3, $0x3C40;
	[tilespmem:s0+$0x70] =	vst v0  }
0xd: {  	[tilespmem:s0+$0x60] =	vst v0  }
.Ltmp0:
0xe: {  	[tilespmem:s0+$0x50] =	vst v0;
	(pc) =	sbr.rel @p0 .LBB2_1-.Ltmp0, $4  }
0xf: {  	[tilespmem:s0+$0x40] =	vst v0  }
0x10: {  	[tilespmem:s0+$0x30] =	vst v0  }
0x11: {  	[tilespmem:s0+$0x20] =	vst v0  }
0x12: {  	[tilespmem:s0+$0x10] =	vst v0  }
0x13: {  	s9 =	stileid.u32  }
0x14: {  	s2 =	smul.u32 $0x68, s9  }
0x15: {  	s3 =	smin.u32 s9, $0x3  }
0x16: {  	s2 =	sor.u32 s3, s2  }
0x17: {  	p0 =	slt.u32 s9, $0x3;
	s7 =	smul.u32 $0xF0, s2;
	s2 =	simm.s32 $0x6270  }
0x18: {  	s2 =	simm.s32 @!p0 $0x6180  }
0x19: {  	s2 =	sadd.s32 s2, s7  }
0x1a: {  	s8 =	smin.u32 s2, $0x61A80  }
0x1b: {  	s2 =	ssub.s32 s8, s7  }
0x1c: {  	p0 =	sgt.s32 s2, $0x0  }
0x1d: {  	s29 =	simm.s32 $0x2;
	s10 =	simm.s32 $0x9;
	s2 =	simm.s32 @!p0 $0x0  }
0x1e: {  	s4 =	simm.s32 $0xA;
	s11 =	simm.s32 $0xB;
	s28 =	smulhi.u32 $0x88888889, s2  }
0x1f: {  	[dreg:$0x4] =	wrdreg s5;
	s31 =	smul.u32 $0xC350, s5;
	s12 =	simm.s32 $0x1  }
0x20: {  	s22 =	simm.s32 $0x0;
	s18 =	simm.s32 $0xC;
	s30 =	sshrl.u32 s28, $0x7  }
0x21: {  	s20 =	simm.s32 $0x0;
	s21 =	simm.s32 $0x0;
	s3 =	smul.u32 $0xF0, s30  }
.Ltmp1:
0x22: {  	[tilespmem:s0+$0x0] =	vst v0;
	v0 =	vimm.s32 $0xFFFFFFFF;
	[sflag:s29] =	ssyncpa.u1 $0x0;
	s16 =	sshll.u32 s9, $0x8;
	(pc) =	sbr.rel .LBB2_3-.Ltmp1, $4  }
0x23: {  	[tilespmem:$0xF208] =	vst v0;
	[sflag:s10] =	ssyncpa.u1 $0x0;
	p0 =	sne.s32 s2, s3;
	s2 =	simm.s32 $0x1  }
0x24: {  	s14 =	sadd.s32 s31, s14;
	[sflag:s4] =	ssyncpa.u1 $0x0;
	s2 =	simm.s32 @!p0 $0x0  }
0x25: {  	s15 =	sadd.s32 s31, s15;
	[sflag:s11] =	ssyncpa.u1 $0x0;
	s13 =	sadd.s32 s2, s30  }
0x26: {  	v0 =	vlaneseq.u32;
	s19 =	smov.u32 s7;
	p0 =	por $0x0, $0x0;
	s17 =	sadd.s32 $0x1, s13  }
.LBB2_18:
0x27: {  	s0 =	sshrl.u32 s31, $0x2  }
.LBB2_20:
0x28: {  	_ =	swait.ge [sflag:s18], s0  }
0x29: {  	s31 =	ssub.s32 $0x0, s0;
	v1 =	vmov s24;
	vm0 =	veq.s32 v0, $0x0;
	[sflag:s18] =	ssyncset.done $0x0  }
0x2a: {  	vm15 =	veq.s32 v0, $0x2;
	v1 =	vsel vm0, s30, v1;
	[sflag:s18] =	ssyncadd.s32 s31  }
0x2b: {  	v1 =	vsel vm15, s22, v1;
	[sflag:s18] =	ssyncpa.u1 $0x1  }
0x2c: {  	[tilespmem:$0xF208] =	vst v1  }
.LBB2_21:
0x2d: {  	s0 =	sadd.s32 $0xF0, s19  }
0x2e: {  	s2 =	smov.u32 s7;
	p1 =	slt.s32 s0, s8  }
0x2f: {  	s2 =	smov.u32 @p1 s0;
	p1 =	sne.s32 s21, s17  }
.Ltmp2:
0x30: {  	_ = 	snop;
	(pc) =	sbr.rel @!p1 .LBB2_22-.Ltmp2, $3  }
0x31: {  	_ =	sdelay $0x1  }
0x32: {  	s22 =	smov.u32 s20;
	s31 =	sadd.s32 $0x1, s21;
	s20 =	smov.u32 s19  }
0x33: {  	p0 =	por !p0, !p0;
	s21 =	smov.u32 s31;
	s19 =	smov.u32 s2  }
.LBB2_3:
0x34: {  	p1 =	sge.u32 s21, s13  }
0x35: {  	s0 =	smulhi.u32 @!p1 $0xAAAAAAAB, s21  }
0x36: {  	s2 =	smov.u32 s19;
	p2 =	sgt.s32 @!p1 s19, $0x61990  }
0x37: {  	s3 =	sshra.s32 @!p1 s19, $0x1F;
	p2 =	por !p2, p1;
	s0 =	sshrl.u32 @!p1 s0, $0x1  }
0x38: {  	s3 =	sand.u32 @!p1 s3, s19;
	s2 =	simm.s32 @p2 $0x61990;
	s0 =	smul.u32 @!p1 $0x3, s0  }
0x39: {  	s2 =	ssub.s32 @!p1 s2, s3  }
0x3a: {  	s2 =	sadd.s32 @!p1 $0xFFF9E670, s2;
	s0 =	ssub.s32 @!p1 s21, s0  }
0x3b: {  	s3 =	sshll.u32 @!p1 s2, $0x2;
	p2 =	sgt.s32 @!p1 s2, $0xEF;
	s0 =	smul.u32 @!p1 $0x3C0, s0  }
0x3c: {  	s4 =	sand.u32 @!p1 $0x7, s19;
	s2 =	ssub.s32 @!p1 $0x3C0, s3;
	p2 =	por !p2, p1  }
0x3d: {  	s3 =	sshrl.u32 @!p1 s19, $0x3;
	s2 =	sshrl.u32 @!p1 s2, $0x2;
	s0 =	sshrl.u32 @!p1 s0, $0x2  }
0x3e: {  	s3 =	sadd.s32 @!p1 s3, s14;
	s2 =	simm.s32 @!p2 $0x0;
	s0 =	sadd.s32 @!p1 $0x10248, s0  }
0x3f: {  	[tilespmem:s0], [sflag:$0xA] =	stream.linear.gather @!p1 [hbm4b:s3+s4], s2, $0x38;
	[tilespmem:$0x1F6F8] =	vst v63  }
0x40: {  	s0 =	sadd.s32 $0xFFFFFFFF, s21  }
0x41: {  	p1 =	sge.u32 s0, s13  }
0x42: {  	p2 =	sgt.s32 @!p1 s20, $0x61990  }
0x43: {  	s2 =	smov.u32 s20;
	s3 =	sshra.s32 @!p1 s20, $0x1F;
	p2 =	por !p2, p1  }
0x44: {  	s3 =	sand.u32 @!p1 s3, s20;
	s2 =	simm.s32 @p2 $0x61990  }
0x45: {  	s2 =	ssub.s32 @!p1 s2, s3  }
0x46: {  	s2 =	sadd.s32 @!p1 $0xFFF9E670, s2  }
0x47: {  	s4 =	sand.u32 @!p1 $0x1, s0;
	s3 =	sshll.u32 @!p1 s2, $0x2  }
0x48: {  	p2 =	sgt.s32 @!p1 s2, $0xEF;
	s2 =	ssub.s32 @!p1 $0x3C0, s3;
	s3 =	smulhi.u32 @!p1 $0xAAAAAAAB, s0  }
0x49: {  	s23 =	smul.u32 @!p1 $0x3C0, s4;
	p2 =	por !p2, p1;
	s2 =	sshrl.u32 @!p1 s2, $0x2  }
0x4a: {  	s5 =	simm.s32 @!p1 $0xA;
	s2 =	simm.s32 @!p2 $0x0;
	s3 =	sshrl.u32 @!p1 s3, $0x1  }
0x4b: {  	s23 =	sshrl.u32 @!p1 s23, $0x2;
	_ =	swait.ge @!p1 [sflag:s5], s2;
	s3 =	smul.u32 @!p1 $0x3, s3  }
0x4c: {  	s23 =	sadd.s32 @!p1 $0x10518, s23;
	s24 =	ssub.s32 @!p1 $0x0, s2;
	[sflag:s5] =	ssyncset.done @!p1 $0x0  }
0x4d: {  	[sflag:s5] =	ssyncadd.s32 @!p1 s24;
	s5 =	sshrl.u32 @!p1 s20, $0x3;
	s0 =	ssub.s32 @!p1 s0, s3  }
0x4e: {  	s24 =	sand.u32 @!p1 $0x7, s20;
	s5 =	sadd.s32 @!p1 s5, s15;
	s0 =	smul.u32 @!p1 $0x3C0, s0  }
0x4f: {  	[tilespmem:s23], [sflag:$0xB] =	stream.linear.gather @!p1 [hbm4b:s5+s24], s2, $0x38;
	[tilespmem:$0x1F6F8] =	vst v63  }
0x50: {  	s3 =	ssub.s32 @!p1 $0x61A80, s20;
	s2 =	smul.u32 @!p1 $0x1E000, s4  }
0x51: {  	p2 =	slt.s32 @!p1 s3, $0xF0  }
0x52: {  	p2 =	por !p2, p1;
	s0 =	sshrl.u32 @!p1 s0, $0x2;
	s2 =	sshrl.u32 @!p1 s2, $0x2  }
0x53: {  	s3 =	simm.s32 @p2 $0xF0;
	s0 =	sadd.s32 @!p1 $0x10248, s0;
	s2 =	sor.u32 @!p1 $0x106F8, s2  }
0x54: {  	[tilespmem:s2], [sflag:$0x9] =	stream.indirect.gather @!p1 [hbm4b:s6+s3], $0x80, s0, s3, $0xb8;
	[tilespmem:$0x1F6F8] =	vst v63  }
0x55: {  	p1 =	slt.u32 s21, $0x2  }
.Ltmp3:
0x56: {  	_ = 	snop;
	(pc) =	sbr.rel @p1 .LBB2_21-.Ltmp3, $1  }
0x57: {  	_ =	sdelay $0x3  }
0x58: {  	p1 =	sgt.s32 s22, $0x61990  }
0x59: {  	s0 =	smov.u32 s22;
	s2 =	sshra.s32 s22, $0x1F;
	s3 =	ssub.s32 $0x61A80, s22  }
0x5a: {  	s0 =	simm.s32 @!p1 $0x61990;
	s2 =	sand.u32 s2, s22;
	p1 =	slt.s32 s3, $0xF0  }
0x5b: {  	s0 =	ssub.s32 s0, s2;
	s3 =	simm.s32 @!p1 $0xF0  }
0x5c: {  	s0 =	sadd.s32 $0xFFF9E670, s0;
	s25 =	sshll.u32 s3, $0x7  }
0x5d: {  	s26 =	sshll.u32 s0, $0x2;
	s2 =	sand.u32 $0x3FFFFF80, s25  }
0x5e: {  	p1 =	sgt.s32 s0, $0xEF;
	s29 =	ssub.s32 $0x3C0, s26;
	_ =	swait.ge [sflag:s10], s2  }
0x5f: {  	s2 =	ssub.s32 $0x0, s2;
	[sflag:s10] =	ssyncset.done $0x0;
	s0 =	sshrl.u32 s29, $0x2  }
0x60: {  	[sflag:s10] =	ssyncadd.s32 s2;
	s0 =	simm.s32 @p1 $0x0  }
0x61: {  	_ =	swait.ge [sflag:s11], s0  }
0x62: {  	s0 =	ssub.s32 $0x0, s0;
	[sflag:s11] =	ssyncset.done $0x0  }
0x63: {  	[sflag:s11] =	ssyncadd.s32 s0  }
0x64: {  	v1 =	vld [tilespmem:$0xF208];
	_ =	sdelay $0x4  }
0x65: {  	(v2sf) =	vpush v1, $0x0  }
0x66: {  	(v2sf) =	vpush v1, $0x1  }
0x67: {  	(v2sf) =	vpush v1, $0x2;
	_ =	sdelay $0x3  }
0x68: {  	s0 =	sadd.s32 $0xF0, s22  }
0x69: {  	s2 =	ssub.s32 $0xC3500, s22;
	p1 =	slt.s32 s8, s0  }
0x6a: {  	s0 =	smov.u32 @p1 s8;
	p1 =	sgt.s32 s2, $0x0  }
0x6b: {  	s26 =	ssub.s32 s0, s22;
	s2 =	simm.s32 @!p1 $0x0  }
0x6c: {  	p1 =	slt.s32 s2, s26  }
0x6d: {  	s26 =	smov.u32 @p1 s2  }
0x6e: {  	s25 =	simm.s32 $0x1;
	p1 =	slt.s32 s26, $0x1  }
.Ltmp4:
0x6f: {  	s25 =	simm.s32 @!p0 $0x0;
	(pc) =	sbr.rel @p1 .LBB2_8-.Ltmp4, $4  }
0x70: {  	s31 =	smul.u32 $0x3C0, s25  }
0x71: {  	s28 =	spop (v2sf)  }
0x72: {  	s0 =	sshrl.u32 s31, $0x2;
	s30 =	spop (v2sf)  }
0x73: {  	s23 =	sadd.s32 $0x10518, s0;
	s22 =	spop (v2sf)  }
0x74: {  	s0 =	smin.u32 s26, $0x10  }
0x75: {  	v1 =	vmov s0  }
0x76: {  	p2 =	sgt.s32 s26, $0x10;
	vm1 =	vgt.u32 v1, v0  }
.Ltmp5:
0x77: {  	_ = 	snop;
	(pc) =	sbr.rel @!p2 .LBB2_7-.Ltmp5, $2  }
0x78: {  	_ =	sdelay $0x2  }
0x79: {  	s4 =	simm.s32 $0x10;
	s24 =	sadd.s32 $0xFFFFFFF0, s26;
	s0 =	smov.u32 s23;
	vm0 =	vmmov vm1  }
.LBB2_6:
0x7a: {  	s2 =	smin.u32 s24, $0x10;
	s4 =	sadd.s32 $0x10, s4;
	v1 =	vld.msk [tilespmem:s0+$0x0 ss:$0x1], vm1  }
0x7b: {  	v2 =	vmov s2;
	p2 =	slt.s32 s4, s26  }
0x7c: {  	vm1 =	vgt.u32 v2, v0  }
.Ltmp6:
0x7d: {  	(pc) =	sbr.rel @p2 .LBB2_6-.Ltmp6, $3  }
0x7e: {  	_ =	sdelay $0x1  }
0x7f: {  	v1 =	vshll.u32 v1, $0x4  }
0x80: {  	s24 =	sadd.s32 $0xFFFFFFF0, s24;
	[tilespmem:s0+$0x0] =	vst.msk vm0, v1;
	s0 =	sadd.s32 $0x10, s0;
	vm0 =	vmmov vm1  }
.LBB2_7:
0x81: {  	_ =	sdelay $0x4  }
0x82: {  	v1 =	vld.msk [tilespmem:s0+$0x0 ss:$0x1], vm1;
	_ =	sdelay $0x4  }
0x83: {  	v1 =	vshll.u32 v1, $0x4  }
0x84: {  	[tilespmem:s0+$0x0] =	vst.msk vm0, v1  }
.LBB2_8:
0x85: {  	s0 =	sand.u32 $0x1, s21  }
0x86: {  	s0 =	smul.u32 $0xF0, s0  }
0x87: {  	p2 =	sne.s32 s30, $0xFFFFFFFF  }
0x88: {  	v1 =	vld.msk @!p2 [tilespmem:s0+$0x10518], $0x1;
	_ =	sdelay $0x4  }
0x89: {  	(v2sf) =	vpush @!p2 v1, $0x0;
	_ =	sdelay $0xc  }
.Ltmp7:
0x8a: {  	_ = 	snop;
	(pc) =	sbr.rel @p1 .LBB2_19-.Ltmp7, $4  }
0x8b: {  	_ = 	snop  }
0x8c: {  	s29 =	spop @!p2 (v2sf)  }
0x8d: {  	s22 =	simm.s32 @!p2 $0x0;
	s24 =	smov.u32 s29  }
0x8e: {  	[sflag:s18] =	ssyncpa.u1 $0x0;
	s29 =	smov.u32 @p2 s28;
	s24 =	smov.u32 @p2 s30  }
0x8f: {  	v1 =	vld.msk [tilespmem:s23+$0x0], $0x1;
	_ =	sdelay $0x4  }
0x90: {  	(v2sf) =	vpush v1, $0x0;
	_ =	sdelay $0xe  }
0x91: {  	s2 =	smul.u32 $0x1E000, s25;
	s0 =	spop (v2sf)  }
0x92: {  	s26 =	ssub.s32 $0x0, s26;
	p1 =	seq.s32 s29, s0  }
0x93: {  	s30 =	sadd.s32 $0x1, s26;
	s2 =	sshrl.u32 s2, $0x2;
	p2 =	sgt.s32 @!p1 s29, $0x0  }
0x94: {  	s25 =	sor.u32 $0x10738, s2;
	s2 =	smov.u32 s29;
	p2 =	por !p2, p1  }
0x95: {  	s2 =	simm.s32 @p2 $0x0;
	p2 =	seq.s32 s30, $0x0  }
.Ltmp8:
0x96: {  	_ = 	snop;
	(pc) =	sbr.rel @p2 .LBB2_11-.Ltmp8, $4  }
0x97: {  	_ = 	snop  }
0x98: {  	s28 =	simm.s32 $0x0;
	s31 =	sadd.s32 $0x1, s23;
	s2 =	smin.u32 @!p1 s2, $0xC34F0  }
0x99: {  	s4 =	simm.s32 @!p1 $0x1;
	s5 =	simm.s32 @!p1 $0x7988;
	s3 =	sand.u32 @!p1 $0xFFFF8, s2  }
0x9a: {  	s4 =	smov.u32 @p1 s28;
	s2 =	sand.u32 @!p1 $0x7, s2;
	s3 =	sadd.s32 @!p1 s1, s3  }
.LBB2_10:
0x9b: {  	s9 =	smov.u32 s4  }
0x9c: {  	[tilespmem:s5], [sflag:$0x2] =	stream.linear.gather @!p1 [hbm4b:s3+s2], $0x80, $0x38;
	[tilespmem:$0x1F6F8] =	vst v63  }
0x9d: {  	s30 =	sadd.s32 $0x1, s30;
	s2 =	smov.u32 s0;
	v1 =	vld.msk [tilespmem:s31+$0x0], $0x1  }
0x9e: {  	p2 =	seq.s32 s30, $0x0;
	_ =	sdelay $0x3  }
0x9f: {  	(v2sf) =	vpush v1, $0x0;
	_ =	sdelay $0xe  }
0xa0: {  	s0 =	spop (v2sf)  }
0xa1: {  	p1 =	seq.s32 s2, s0  }
0xa2: {  	p3 =	sgt.s32 @!p1 s2, $0x0;
	s3 =	sshll.u32 @!p1 s4, $0x9;
	s4 =	sadd.s32 @!p1 $0x1, s4  }
.Ltmp9:
0xa3: {  	p3 =	por !p3, p1;
	s3 =	sshra.s32 @!p1 s3, $0x2;
	(pc) =	sbr.rel @!p2 .LBB2_10-.Ltmp9, $4  }
0xa4: {  	s4 =	smov.u32 @p1 s9;
	s2 =	simm.s32 @p3 $0x0;
	s5 =	sadd.s32 @!p1 $0x7988, s3  }
0xa5: {  	s2 =	smin.u32 @!p1 s2, $0xC34F0  }
0xa6: {  	s3 =	sand.u32 @!p1 $0xFFFF8, s2;
	s2 =	sand.u32 @!p1 $0x7, s2  }
0xa7: {  	s31 =	sadd.s32 $0x1, s31;
	s3 =	sadd.s32 @!p1 s1, s3  }
.LBB2_11:
0xa8: {  	[tilespmem:s5], [sflag:$0x2] =	stream.linear.gather @!p1 [hbm4b:s3+s2], $0x80, $0x38;
	[tilespmem:$0x1F6F8] =	vst v63  }
.Ltmp10:
0xa9: {  	s0 =	sshll.u32 s4, $0x7;
	(pc) =	sbr.rel .LBB2_12-.Ltmp10, $4  }
0xaa: {  	s30 =	simm.s32 $0x2;
	s0 =	sand.u32 $0x3FFFFF80, s0  }
0xab: {  	_ =	swait.ge [sflag:s30], s0  }
0xac: {  	s0 =	ssub.s32 $0x0, s0;
	[sflag:s30] =	ssyncset.done $0x0  }
0xad: {  	s31 =	simm.s32 $0x0;
	[sflag:s30] =	ssyncadd.s32 s0  }
.LBB2_13:
0xae: {  	v1 =	vld [tilespmem:s25+$0xFFFFFFC0];
	_ =	sdelay $0x3  }
0xaf: {  	s0 =	sshra.s32 s0, $0x2  }
0xb0: {  	[tilespmem:s0+$0x108] =	vst.add.f32.msk $0xffff, v1  }
0xb1: {  	v1 =	vld [tilespmem:s25+$0xFFFFFFD0];
	_ =	sdelay $0x4  }
0xb2: {  	[tilespmem:s0+$0x118] =	vst.add.f32.msk $0xffff, v1  }
0xb3: {  	v1 =	vld [tilespmem:s25+$0xFFFFFFE0];
	_ =	sdelay $0x4  }
0xb4: {  	[tilespmem:s0+$0x128] =	vst.add.f32.msk $0xffff, v1  }
0xb5: {  	v1 =	vld [tilespmem:s25+$0xFFFFFFF0];
	_ =	sdelay $0x4  }
0xb6: {  	[tilespmem:s0+$0x138] =	vst.add.f32.msk $0xffff, v1  }
0xb7: {  	v1 =	vld [tilespmem:s25+$0x0];
	_ =	sdelay $0x4  }
0xb8: {  	[tilespmem:s0+$0x148] =	vst.add.f32.msk $0xffff, v1  }
0xb9: {  	v1 =	vld [tilespmem:s25+$0x10];
	_ =	sdelay $0x4  }
0xba: {  	[tilespmem:s0+$0x158] =	vst.add.f32.msk $0xffff, v1  }
0xbb: {  	v1 =	vld [tilespmem:s25+$0x20];
	_ =	sdelay $0x4  }
0xbc: {  	[tilespmem:s0+$0x168] =	vst.add.f32.msk $0xffff, v1  }
0xbd: {  	v1 =	vld [tilespmem:s25+$0x30];
	_ =	sdelay $0x4  }
0xbe: {  	[tilespmem:s0+$0x178] =	vst.add.f32.msk $0xffff, v1  }
.LBB2_17:
0xbf: {  	s26 =	sadd.s32 $0x1, s26  }
0xc0: {  	p1 =	seq.s32 s26, $0x0  }
.Ltmp11:
0xc1: {  	_ = 	snop;
	(pc) =	sbr.rel @p1 .LBB2_18-.Ltmp11, $2  }
0xc2: {  	_ =	sdelay $0x2  }
0xc3: {  	s23 =	sadd.s32 $0x1, s23;
	s25 =	sadd.s32 $0x80, s25;
	s29 =	smov.u32 s30  }
.LBB2_12:
0xc4: {  	v1 =	vld.msk [tilespmem:s23+$0x0], $0x1;
	_ =	sdelay $0x4  }
0xc5: {  	(v2sf) =	vpush v1, $0x0;
	_ =	sdelay $0xe  }
0xc6: {  	s30 =	spop (v2sf)  }
0xc7: {  	p1 =	sne.s32 s29, s30  }
.Ltmp12:
0xc8: {  	_ = 	snop;
	(pc) =	sbr.rel @!p1 .LBB2_13-.Ltmp12, $2  }
0xc9: {  	_ =	sdelay $0x2  }
0xca: {  	s0 =	sshll.u32 s22, $0x9  }
0xcb: {  	p1 =	seq.s32 s29, s24  }
.Ltmp13:
0xcc: {  	_ = 	snop;
	(pc) =	sbr.rel @!p1 .LBB2_15-.Ltmp13, $1  }
0xcd: {  	_ =	sdelay $0x3  }
0xce: {  	s0 =	sshra.s32 s0, $0x2  }
.Ltmp14:
0xcf: {  	s0 =	sadd.s32 $0x108, s0;
	(pc) =	sbr.rel .LBB2_16-.Ltmp14, $4  }
0xd0: {  	[spmem:s16] =	stream.linear.scatter [tilespmem:s0], [sflag:$0x1], $0x80, $0x38;
	[tilespmem:$0x1F6F8] =	vst v63  }
0xd1: {  	_ =	swait.ge [sflag:s12], $0x80  }
0xd2: {  	[sflag:s12] =	ssyncset.done $0x0  }
0xd3: {  	[sflag:s12] =	ssyncadd.s32 $0xFFFFFF80  }
.LBB2_15:
0xd4: {  	s2 =	sshll.u32 s28, $0x9  }
0xd5: {  	s2 =	sshra.s32 s2, $0x2  }
0xd6: {  	v1 =	vld [tilespmem:s2+$0x7988];
	_ =	sdelay $0x3  }
0xd7: {  	s0 =	sshra.s32 s0, $0x2  }
0xd8: {  	[tilespmem:s0+$0x108] =	vst.add.f32.msk $0xffff, v1  }
0xd9: {  	v1 =	vld [tilespmem:s2+$0x7998];
	_ =	sdelay $0x4  }
0xda: {  	[tilespmem:s0+$0x118] =	vst.add.f32.msk $0xffff, v1  }
0xdb: {  	v1 =	vld [tilespmem:s2+$0x79A8];
	_ =	sdelay $0x4  }
0xdc: {  	[tilespmem:s0+$0x128] =	vst.add.f32.msk $0xffff, v1  }
0xdd: {  	v1 =	vld [tilespmem:s2+$0x79B8];
	_ =	sdelay $0x4  }
0xde: {  	[tilespmem:s0+$0x138] =	vst.add.f32.msk $0xffff, v1  }
0xdf: {  	v1 =	vld [tilespmem:s2+$0x79C8];
	_ =	sdelay $0x4  }
0xe0: {  	[tilespmem:s0+$0x148] =	vst.add.f32.msk $0xffff, v1  }
0xe1: {  	v1 =	vld [tilespmem:s2+$0x79D8];
	_ =	sdelay $0x4  }
0xe2: {  	[tilespmem:s0+$0x158] =	vst.add.f32.msk $0xffff, v1  }
0xe3: {  	v1 =	vld [tilespmem:s2+$0x79E8];
	_ =	sdelay $0x4  }
0xe4: {  	[tilespmem:s0+$0x168] =	vst.add.f32.msk $0xffff, v1  }
0xe5: {  	v1 =	vld [tilespmem:s2+$0x79F8];
	_ =	sdelay $0x2  }
0xe6: {  	p1 =	sgt.u32 s29, $0xC34F0  }
0xe7: {  	s2 =	sand.u32 @!p1 $0xFFFF8, s29  }
0xe8: {  	s3 =	sadd.s32 $0x108, s0;
	[tilespmem:s0+$0x178] =	vst.add.f32.msk $0xffff, v1;
	s0 =	sadd.s32 @!p1 s1, s2;
	s2 =	sand.u32 @!p1 $0x7, s29  }
0xe9: {  	[hbm4b:s0+s2] =	stream.linear.scatter @!p1 [tilespmem:s3], [sflag:$0xC], $0x80, $0x38;
	[tilespmem:$0x1F6F8] =	vst v63  }
0xea: {  	s0 =	simm.s32 $0x0  }
0xeb: {  	s0 =	simm.s32 @!p1 $0x200  }
0xec: {  	s31 =	sadd.s32 s0, s31  }
.LBB2_16:
0xed: {  	s0 =	sadd.s32 $0x1, s22  }
0xee: {  	s2 =	smulhi.u32 $0x88888889, s0;
	_ =	sdelay $0x1  }
0xef: {  	v1 =	vld [tilespmem:s25+$0xFFFFFFC0];
	s2 =	sshrl.u32 s2, $0x7  }
0xf0: {  	s2 =	smul.u32 $0xF0, s2;
	_ =	sdelay $0x1  }
0xf1: {  	s22 =	ssub.s32 s0, s2  }
0xf2: {  	s0 =	sshll.u32 s22, $0x7  }
0xf3: {  	[tilespmem:s0+$0x108] =	vst v1  }
0xf4: {  	v1 =	vld [tilespmem:s25+$0xFFFFFFD0];
	_ =	sdelay $0x4  }
0xf5: {  	[tilespmem:s0+$0x118] =	vst v1  }
0xf6: {  	v1 =	vld [tilespmem:s25+$0xFFFFFFE0];
	_ =	sdelay $0x4  }
0xf7: {  	[tilespmem:s0+$0x128] =	vst v1  }
0xf8: {  	v1 =	vld [tilespmem:s25+$0xFFFFFFF0];
	_ =	sdelay $0x4  }
0xf9: {  	[tilespmem:s0+$0x138] =	vst v1  }
0xfa: {  	v1 =	vld [tilespmem:s25+$0x0];
	_ =	sdelay $0x4  }
0xfb: {  	[tilespmem:s0+$0x148] =	vst v1  }
0xfc: {  	v1 =	vld [tilespmem:s25+$0x10];
	_ =	sdelay $0x4  }
0xfd: {  	[tilespmem:s0+$0x158] =	vst v1  }
0xfe: {  	v1 =	vld [tilespmem:s25+$0x20];
	_ =	sdelay $0x4  }
0xff: {  	[tilespmem:s0+$0x168] =	vst v1  }
0x100: {  	v1 =	vld [tilespmem:s25+$0x30]  }
.Ltmp15:
0x101: {  	_ = 	snop;
	(pc) =	sbr.rel .LBB2_17-.Ltmp15, $2  }
0x102: {  	_ =	sdelay $0x2  }
0x103: {  	s28 =	sadd.s32 $0x1, s28;
	[tilespmem:s0+$0x178] =	vst v1  }
.LBB2_19:
.Ltmp16:
0x104: {  	(pc) =	sbr.rel .LBB2_20-.Ltmp16, $4  }
0x105: {  	_ = 	snop  }
0x106: {  	s0 =	simm.s32 $0x2  }
0x107: {  	_ =	swait.ge [sflag:s0], $0x0  }
0x108: {  	s30 =	smov.u32 s29;
	[sflag:s0] =	ssyncset.done $0x0;
	s0 =	simm.s32 $0x0  }
.LBB2_22:
0x109: {  	_ =	sfence.sel $0x180000  }
0x10a: {  	s0 =	simm.s32 $0x9;
	[bflag:$0x0] =	sbarrier.arrive $0xFFFF  }
0x10b: {  	s24 =	simm.s32 $0xA;
	[sflag:s0] =	ssyncpa.u1 $0x1  }
0x10c: {  	s25 =	simm.s32 $0xB;
	[sflag:s24] =	ssyncpa.u1 $0x1  }
0x10d: {  	s26 =	simm.s32 $0x2;
	[sflag:s25] =	ssyncpa.u1 $0x1  }
0x10e: {  	[sflag:s26] =	ssyncpa.u1 $0x1  }
0x10f: {  	v0 =	vld [tilespmem:$0xF208];
	_ =	sdelay $0x4  }
0x110: {  	(v2sf) =	vpush v0, $0x0  }
0x111: {  	(v2sf) =	vpush v0, $0x1;
	_ =	sdelay $0x1  }
0x112: {  	(v2sf) =	vpush v0, $0x2;
	_ =	sdelay $0xb  }
0x113: {  	s0 =	spop (v2sf)  }
0x114: {  	s2 =	spop (v2sf)  }
0x115: {  	s3 =	smov.u32 s0;
	p0 =	sne.s32 s0, s2  }
0x116: {  	s4 =	spop (v2sf);
	s3 =	simm.s32 @!p0 $0xFFFFFFFF  }
0x117: {  	v2 =	vimm.s32 $0x1;
	v3 =	vlaneseq.u32;
	p0 =	seq.s32 s4, $0xFFFFFFFF;
	v1 =	vmov s3  }
0x118: {  	s16 =	stileid.u32;
	v0 =	vperm.xlane v0, v2;
	p1 =	sne.s32 @!p0 s0, s2;
	v1 =	vperm.xlane v1, v3  }
0x119: {  	vm0 =	vcmask $0x3F04;
	s6 =	simm.s32 $0xF208;
	s0 =	simm.s32 @!p0 $0x1;
	p1 =	por !p1, p0  }
0x11a: {  	s3 =	sshll.u32 s16, $0x1;
	s2 =	sshll.u32 @!p0 s4, $0x9;
	s0 =	simm.s32 @p1 $0x0;
	v0 =	vsel vm0, v1, v0  }
0x11b: {  	s5 =	sor.u32 $0x1000, s3;
	s2 =	sshra.s32 @!p0 s2, $0x2;
	s0 =	sor.u32 @!p0 s0, s3;
	[tilespmem:$0xF208] =	vst v0  }
0x11c: {  	[spmem:s5] =	stream.linear.scatter [tilespmem:s6], [sflag:$0x1], $0x2, $0x38;
	[tilespmem:$0x1F6F8] =	vst v63  }
0x11d: {  	s2 =	sadd.s32 @!p0 $0x108, s2;
	s0 =	sshll.u32 @!p0 s0, $0x7  }
0x11e: {  	[spmem:s0] =	stream.linear.scatter @!p0 [tilespmem:s2], [sflag:$0x1], $0x80, $0x38;
	[tilespmem:$0x1F6F8] =	vst v63  }
0x11f: {  	s0 =	simm.s32 @!p0 $0x82  }
0x120: {  	s28 =	simm.s32 $0x1;
	s0 =	simm.s32 @p0 $0x2  }
0x121: {  	_ =	swait.ge [sflag:s28], s0  }
0x122: {  	s0 =	ssub.s32 $0x0, s0;
	[sflag:s28] =	ssyncset.done $0x0  }
0x123: {  	p0 =	sne.s32 s16, $0x0;
	[sflag:s28] =	ssyncadd.s32 s0  }
.Ltmp17:
0x124: {  	_ =	sfence.stream.spmem;
	(pc) =	sbr.rel @p0 .LBB2_39-.Ltmp17, $4  }
0x125: {  	s29 =	simm.s32 $0x3;
	[bflag:$0x0] =	sbarrier.arrive $0xFFFF  }
0x126: {  	s30 =	simm.s32 $0x4;
	[sflag:s29] =	ssyncpa.u1 $0x1  }
0x127: {  	s31 =	simm.s32 $0x3C;
	[sflag:s30] =	ssyncpa.u1 $0x1  }
0x128: {  	s15 =	rddreg [dreg:$0x4];
	[sflag:s31] =	ssyncpa.u1 $0x1  }
0x129: {  	_ =	sfence.stream.spmem;
	s0 =	simm.s32 $0x5  }
0x12a: {  	s2 =	simm.s32 $0x1000;
	s3 =	simm.s32 $0xF218;
	[sflag:s0] =	ssyncpa.u1 $0x0  }
0x12b: {  	[tilespmem:s3], [sflag:$0x5] =	stream.linear.gather [spmem:s2], $0x20, $0x38;
	[tilespmem:$0x1F6F8] =	vst v63  }
0x12c: {  	s26 =	simm.s32 $0x0;
	s28 =	simm.s32 $0xF238  }
0x12d: {  	[tilespmem:s28], [sflag:$0x5] =	stream.linear.gather [spmem:s26], $0x1000, $0x38;
	[tilespmem:$0x1F6F8] =	vst v63  }
0x12e: {  	_ =	swait.ge [sflag:s0], $0x1020  }
0x12f: {  	[sflag:s0] =	ssyncset.done $0x0  }
0x130: {  	s29 =	simm.s32 $0x0;
	[sflag:s0] =	ssyncadd.s32 $0xFFFFEFE0  }
0x131: {  	v0 =	vld.msk [tilespmem:s29+$0xF218], $0x1;
	_ =	sdelay $0x1  }
0x132: {  	s30 =	simm.s32 $0x1  }
0x133: {  	v1 =	vld.msk [tilespmem:s30+$0xF218], $0x1;
	_ =	sdelay $0x1  }
0x134: {  	(v2sf) =	vpush v0, $0x0;
	_ =	sdelay $0x2  }
0x135: {  	(v2sf) =	vpush v1, $0x0;
	_ =	sdelay $0x2  }
0x136: {  	s31 =	simm.s32 $0x2  }
0x137: {  	v0 =	vld.msk [tilespmem:s31+$0xF218], $0x1;
	_ =	sdelay $0x2  }
0x138: {  	s4 =	simm.s32 $0xFFFFFFFF;
	s5 =	simm.s32 $0xFFFFFFFF;
	s0 =	simm.s32 $0xC  }
.LBB2_24:
0x139: {  	s2 =	smov.u32 s5;
	s3 =	smov.u32 s4  }
0x13a: {  	s4 =	sshra.s32 s0, $0x2;
	p1 =	sne.s32 s0, $0x7C;
	s0 =	sadd.s32 $0x4, s0;
	(v2sf) =	vpush v0, $0x0  }
0x13b: {  	v0 =	vld.msk [tilespmem:s4+$0xF218], $0x1  }
.Ltmp18:
0x13c: {  	(pc) =	sbr.rel @p1 .LBB2_24-.Ltmp18, $4  }
0x13d: {  	s5 =	spop (v2sf)  }
0x13e: {  	p2 =	sne.s32 s3, $0xFFFFFFFF;
	s4 =	smov.u32 s5  }
0x13f: {  	p3 =	seq.s32 s5, $0xFFFFFFFF;
	s4 =	smov.u32 @p2 s3  }
0x140: {  	s5 =	smov.u32 @p3 s2;
	s4 =	smov.u32 @p3 s3  }
0x141: {  	(v2sf) =	vpush v0, $0x0;
	_ =	sdelay $0x8  }
0x142: {  	s0 =	spop (v2sf)  }
0x143: {  	p1 =	sne.s32 s4, $0xFFFFFFFF;
	s2 =	smov.u32 s0  }
0x144: {  	s9 =	simm.s32 $0x6;
	p2 =	seq.s32 s0, $0xFFFFFFFF;
	s2 =	smov.u32 @p1 s4  }
0x145: {  	s6 =	simm.s32 $0x0;
	s2 =	smov.u32 @p2 s4;
	s3 =	spop (v2sf)  }
0x146: {  	s0 =	smov.u32 @p2 s5;
	p1 =	sne.s32 s2, $0xFFFFFFFF;
	s4 =	smov.u32 s3  }
.Ltmp19:
0x147: {  	p2 =	seq.s32 s3, $0xFFFFFFFF;
	s4 =	smov.u32 @p1 s2;
	(pc) =	sbr.rel .LBB2_26-.Ltmp19, $4  }
0x148: {  	s10 =	simm.s32 $0xF188;
	s4 =	smov.u32 @p2 s2;
	s7 =	spop (v2sf)  }
0x149: {  	s11 =	simm.s32 $0x0;
	p1 =	sne.s32 s4, $0xFFFFFFFF;
	s8 =	smov.u32 s7  }
0x14a: {  	s3 =	smov.u32 @p2 s0;
	p2 =	seq.s32 s7, $0xFFFFFFFF;
	s8 =	smov.u32 @p1 s4  }
0x14b: {  	[sflag:s9] =	ssyncpa.u1 $0x0;
	s7 =	smov.u32 @p2 s3;
	s8 =	smov.u32 @p2 s4  }
.LBB2_32:
0x14c: {  	p1 =	sgt.u32 s12, $0xC34F0  }
0x14d: {  	p2 =	seq.s32 @!p1 s12, s8  }
0x14e: {  	p1 =	por p1, p2  }
0x14f: {  	p2 =	sne.s32 @!p1 s12, s7  }
0x150: {  	p1 =	por p1, !p2  }
0x151: {  	s0 =	sshll.u32 @p1 s11, $0x9  }
0x152: {  	s0 =	sand.u32 @!p1 $0xFFFF8, s12  }
0x153: {  	s2 =	sand.u32 @!p1 $0x7, s12;
	s0 =	sadd.s32 @!p1 s1, s0  }
0x154: {  	[tilespmem:s10], [sflag:$0x6] =	stream.linear.gather @!p1 [hbm4b:s0+s2], $0x80, $0x38;
	[tilespmem:$0x1F6F8] =	vst v63  }
0x155: {  	_ =	swait.ge @!p1 [sflag:s9], $0x80  }
0x156: {  	[sflag:s9] =	ssyncset.done @!p1 $0x0  }
0x157: {  	[sflag:s9] =	ssyncadd.s32 @!p1 $0xFFFFFF80  }
0x158: {  	v1 =	vld @!p1 [tilespmem:$0xF188];
	_ =	sdelay $0x2  }
0x159: {  	s0 =	sshll.u32 @!p1 s11, $0x9  }
0x15a: {  	s2 =	sshrl.u32 @!p1 s0, $0x2  }
0x15b: {  	[tilespmem:s2+$0xF238] =	vst.add.f32.msk @!p1 $0xffff, v1  }
0x15c: {  	v1 =	vld @!p1 [tilespmem:$0xF198];
	_ =	sdelay $0x4  }
0x15d: {  	[tilespmem:s2+$0xF248] =	vst.add.f32.msk @!p1 $0xffff, v1  }
0x15e: {  	v1 =	vld @!p1 [tilespmem:$0xF1A8];
	_ =	sdelay $0x4  }
0x15f: {  	[tilespmem:s2+$0xF258] =	vst.add.f32.msk @!p1 $0xffff, v1  }
0x160: {  	v1 =	vld @!p1 [tilespmem:$0xF1B8];
	_ =	sdelay $0x4  }
0x161: {  	[tilespmem:s2+$0xF268] =	vst.add.f32.msk @!p1 $0xffff, v1  }
0x162: {  	v1 =	vld @!p1 [tilespmem:$0xF1C8];
	_ =	sdelay $0x4  }
0x163: {  	[tilespmem:s2+$0xF278] =	vst.add.f32.msk @!p1 $0xffff, v1  }
0x164: {  	v1 =	vld @!p1 [tilespmem:$0xF1D8];
	_ =	sdelay $0x4  }
0x165: {  	[tilespmem:s2+$0xF288] =	vst.add.f32.msk @!p1 $0xffff, v1  }
0x166: {  	v1 =	vld @!p1 [tilespmem:$0xF1E8];
	_ =	sdelay $0x4  }
0x167: {  	[tilespmem:s2+$0xF298] =	vst.add.f32.msk @!p1 $0xffff, v1  }
0x168: {  	v1 =	vld @!p1 [tilespmem:$0xF1F8];
	_ =	sdelay $0x4  }
0x169: {  	[tilespmem:s2+$0xF2A8] =	vst.add.f32.msk @!p1 $0xffff, v1  }
0x16a: {  	s0 =	sshrl.u32 s0, $0x2;
	[tilespmem:s6+$0xF218] =	vst.msk $0x1, v0  }
0x16b: {  	v0 =	vld [tilespmem:s0+$0xF238];
	_ =	sdelay $0x2  }
0x16c: {  	s31 =	sshll.u32 s6, $0x9  }
0x16d: {  	s2 =	sshra.s32 s31, $0x2  }
0x16e: {  	[tilespmem:s2+$0xF238] =	vst v0  }
0x16f: {  	v0 =	vld [tilespmem:s0+$0xF248];
	_ =	sdelay $0x4  }
0x170: {  	[tilespmem:s2+$0xF248] =	vst v0  }
0x171: {  	v0 =	vld [tilespmem:s0+$0xF258];
	_ =	sdelay $0x4  }
0x172: {  	[tilespmem:s2+$0xF258] =	vst v0  }
0x173: {  	v0 =	vld [tilespmem:s0+$0xF268];
	_ =	sdelay $0x4  }
0x174: {  	[tilespmem:s2+$0xF268] =	vst v0  }
0x175: {  	v0 =	vld [tilespmem:s0+$0xF278];
	_ =	sdelay $0x4  }
0x176: {  	[tilespmem:s2+$0xF278] =	vst v0  }
0x177: {  	v0 =	vld [tilespmem:s0+$0xF288];
	_ =	sdelay $0x4  }
0x178: {  	[tilespmem:s2+$0xF288] =	vst v0  }
0x179: {  	v0 =	vld [tilespmem:s0+$0xF298];
	_ =	sdelay $0x4  }
0x17a: {  	[tilespmem:s2+$0xF298] =	vst v0  }
0x17b: {  	v0 =	vld [tilespmem:s0+$0xF2A8];
	_ =	sdelay $0x4  }
0x17c: {  	s6 =	sadd.s32 $0x1, s6;
	[tilespmem:s2+$0xF2A8] =	vst v0  }
.LBB2_33:
0x17d: {  	s11 =	sadd.s32 $0x1, s11  }
0x17e: {  	p1 =	sne.s32 s11, $0x20  }
.Ltmp20:
0x17f: {  	_ = 	snop;
	(pc) =	sbr.rel @!p1 .LBB2_34-.Ltmp20, $1  }
0x180: {  	_ =	sdelay $0x3  }
.LBB2_26:
0x181: {  	v0 =	vld.msk [tilespmem:s11+$0xF218], $0x1;
	_ =	sdelay $0x4  }
0x182: {  	(v2sf) =	vpush v0, $0x0;
	_ =	sdelay $0xe  }
0x183: {  	s12 =	spop (v2sf)  }
0x184: {  	p1 =	seq.s32 s12, $0xFFFFFFFF  }
.Ltmp21:
0x185: {  	_ = 	snop;
	(pc) =	sbr.rel @p1 .LBB2_33-.Ltmp21, $1  }
0x186: {  	_ =	sdelay $0x3  }
0x187: {  	p1 =	slt.s32 s6, $0x1  }
.Ltmp22:
0x188: {  	_ = 	snop;
	(pc) =	sbr.rel @p1 .LBB2_32-.Ltmp22, $1  }
0x189: {  	_ =	sdelay $0x3  }
0x18a: {  	s13 =	simm.s32 $0xF218;
	p1 =	por $0x0, $0x0  }
0x18b: {  	v1 =	vld.msk @!p1 [tilespmem:s13+$0x0], $0x1;
	_ =	sdelay $0x4  }
0x18c: {  	(v2sf) =	vpush @!p1 v1, $0x0;
	_ =	sdelay $0xd  }
0x18d: {  	p3 =	sne.s32 s6, $0x1  }
.Ltmp23:
0x18e: {  	s0 =	spop @!p1 (v2sf);
	(pc) =	sbr.rel @!p3 .LBB2_30-.Ltmp23, $4  }
0x18f: {  	p2 =	seq.s32 @!p1 s12, s0  }
0x190: {  	s14 =	simm.s32 $0x0;
	p2 =	por !p2, p1  }
0x191: {  	s2 =	simm.s32 $0xFFFFFFFF;
	s14 =	simm.s32 @p2 $0xFFFFFFFF  }
0x192: {  	s0 =	simm.s32 $0x1;
	s14 =	smov.u32 @p1 s2  }
.LBB2_29:
0x193: {  	s2 =	smov.u32 s14;
	p1 =	sne.s32 s14, $0xFFFFFFFF  }
0x194: {  	s13 =	sadd.s32 $0x1, s13;
	s14 =	smov.u32 s0;
	s0 =	sadd.s32 $0x1, s0  }
0x195: {  	p2 =	sne.s32 s6, s0;
	v1 =	vld.msk @!p1 [tilespmem:s13+$0x0], $0x1;
	_ =	sdelay $0x4  }
0x196: {  	(v2sf) =	vpush @!p1 v1, $0x0;
	_ =	sdelay $0xe  }
.Ltmp24:
0x197: {  	s3 =	spop @!p1 (v2sf);
	(pc) =	sbr.rel @p2 .LBB2_29-.Ltmp24, $4  }
0x198: {  	p3 =	seq.s32 @!p1 s12, s3  }
0x199: {  	p3 =	por !p3, p1  }
0x19a: {  	s14 =	simm.s32 @p3 $0xFFFFFFFF  }
0x19b: {  	s14 =	smov.u32 @p1 s2  }
.LBB2_30:
0x19c: {  	p1 =	seq.s32 s14, $0xFFFFFFFF  }
.Ltmp25:
0x19d: {  	_ = 	snop;
	(pc) =	sbr.rel @p1 .LBB2_32-.Ltmp25, $1  }
0x19e: {  	_ =	sdelay $0x3  }
0x19f: {  	s0 =	sshll.u32 s11, $0x7  }
0x1a0: {  	s0 =	sand.u32 $0x3FFFFF80, s0  }
0x1a1: {  	v0 =	vld [tilespmem:s0+$0xF238];
	_ =	sdelay $0x2  }
0x1a2: {  	s2 =	sshll.u32 s14, $0x9  }
0x1a3: {  	s2 =	sshra.s32 s2, $0x2  }
0x1a4: {  	[tilespmem:s2+$0xF238] =	vst.add.f32.msk $0xffff, v0  }
0x1a5: {  	v0 =	vld [tilespmem:s0+$0xF248];
	_ =	sdelay $0x4  }
0x1a6: {  	[tilespmem:s2+$0xF248] =	vst.add.f32.msk $0xffff, v0  }
0x1a7: {  	v0 =	vld [tilespmem:s0+$0xF258];
	_ =	sdelay $0x4  }
0x1a8: {  	[tilespmem:s2+$0xF258] =	vst.add.f32.msk $0xffff, v0  }
0x1a9: {  	v0 =	vld [tilespmem:s0+$0xF268];
	_ =	sdelay $0x4  }
0x1aa: {  	[tilespmem:s2+$0xF268] =	vst.add.f32.msk $0xffff, v0  }
0x1ab: {  	v0 =	vld [tilespmem:s0+$0xF278];
	_ =	sdelay $0x4  }
0x1ac: {  	[tilespmem:s2+$0xF278] =	vst.add.f32.msk $0xffff, v0  }
0x1ad: {  	v0 =	vld [tilespmem:s0+$0xF288];
	_ =	sdelay $0x4  }
0x1ae: {  	[tilespmem:s2+$0xF288] =	vst.add.f32.msk $0xffff, v0  }
0x1af: {  	v0 =	vld [tilespmem:s0+$0xF298];
	_ =	sdelay $0x4  }
0x1b0: {  	[tilespmem:s2+$0xF298] =	vst.add.f32.msk $0xffff, v0  }
0x1b1: {  	v0 =	vld [tilespmem:s0+$0xF2A8]  }
.Ltmp26:
0x1b2: {  	_ = 	snop;
	(pc) =	sbr.rel .LBB2_33-.Ltmp26, $2  }
0x1b3: {  	_ =	sdelay $0x2  }
0x1b4: {  	[tilespmem:s2+$0xF2A8] =	vst.add.f32.msk $0xffff, v0  }
.LBB2_34:
0x1b5: {  	s0 =	simm.s32 $0x6;
	p1 =	seq.s32 s6, $0x0  }
0x1b6: {  	[sflag:s0] =	ssyncpa.u1 $0x1;
	v0 =	vimm.s32 @p1 $0xFFFFFFFF  }
0x1b7: {  	s9 =	sadd.s32 $0xFFFFFFFF, s6;
	[tilespmem:$0x10238] =	vst @p1 v0  }
0x1b8: {  	v0 =	vld.msk @!p1 [tilespmem:s9+$0xF218], $0x1;
	_ =	sdelay $0x1  }
0x1b9: {  	v1 =	vld.msk @!p1 [tilespmem:$0xF218], $0x1;
	_ =	sdelay $0x2  }
0x1ba: {  	p2 =	seq.s32 @!p1 s9, $0x0;
	v0 =	vbroadcast @!p1 v0, $0x0  }
0x1bb: {  	vm0 =	vmmov @!p1 $0x1;
	p2 =	por !p2, p1  }
0x1bc: {  	v1 =	vnsel @!p1 vm0, $0xFFFFFFFF, v1;
	vm0 =	vcmask @!p1 $0x308;
	v0 =	vpsel !p2, $0xFFFFFFFF, v0  }
0x1bd: {  	p2 =	sne.s32 @!p1 s8, s7;
	v0 =	vsel @!p1 vm0, v1, v0  }
0x1be: {  	s0 =	simm.s32 @!p1 $0xF238;
	s2 =	simm.s32 @!p1 $0x0;
	p3 =	por !p2, p1;
	[tilespmem:$0x10238] =	vst @!p1 v0  }
0x1bf: {  	[spmem:s2] =	stream.linear.scatter @!p1 [tilespmem:s0], [sflag:$0x1], $0x80, $0x38;
	[tilespmem:$0x1F6F8] =	vst v63  }
0x1c0: {  	s0 =	sshll.u32 @!p3 s9, $0x9  }
0x1c1: {  	s0 =	sshra.s32 @!p3 s0, $0x2  }
0x1c2: {  	s2 =	simm.s32 @!p3 $0x80;
	s0 =	sadd.s32 @!p3 $0xF238, s0  }
0x1c3: {  	[spmem:s2] =	stream.linear.scatter @!p3 [tilespmem:s0], [sflag:$0x1], $0x80, $0x38;
	[tilespmem:$0x1F6F8] =	vst v63  }
0x1c4: {  	s0 =	simm.s32 @!p3 $0x1  }
0x1c5: {  	_ =	swait.ge @!p3 [sflag:s0], $0x100  }
0x1c6: {  	p1 =	por p2, p1;
	[sflag:s0] =	ssyncset.done @!p3 $0x0  }
0x1c7: {  	[sflag:s0] =	ssyncadd.s32 @!p3 $0xFFFFFF00;
	s0 =	simm.s32 @!p1 $0x1  }
0x1c8: {  	_ =	swait.ge @!p1 [sflag:s0], $0x80  }
0x1c9: {  	s29 =	simm.s32 $0x10238;
	[sflag:s0] =	ssyncset.done @!p1 $0x0  }
0x1ca: {  	s30 =	simm.s32 $0x1000;
	s31 =	simm.s32 $0x1;
	[sflag:s0] =	ssyncadd.s32 @!p1 $0xFFFFFF80  }
0x1cb: {  	[spmem:s30] =	stream.linear.scatter [tilespmem:s29], [sflag:$0x1], $0x10, $0x38;
	[tilespmem:$0x1F6F8] =	vst v63  }
0x1cc: {  	_ =	swait.ge [sflag:s31], $0x10  }
0x1cd: {  	[sflag:s31] =	ssyncset.done $0x0  }
0x1ce: {  	p1 =	seq.s32 s15, $0x0;
	s8 =	rddreg [dreg:$0x1];
	[sflag:s31] =	ssyncadd.s32 $0xFFFFFFF0  }
0x1cf: {  	s2 =	sshll.u32 @p1 s8, $0xE;
	s7 =	rddreg [dreg:$0x2]  }
0x1d0: {  	s0 =	sadd.s32 @p1 $0x15C3C, s2;
	s2 =	sshll.u32 @p1 s7, $0x11  }
0x1d1: {  	_ =	sfence.stream.spmem;
	s0 =	sor.u32 @p1 s2, s0  }
0x1d2: {  	[sflag:s0] =	ssyncadd.remote.s32 @p1 $0x1;
	s0 =	simm.s32 @p1 $0x4  }
0x1d3: {  	s3 =	simm.s32 @!p1 $0x3C;
	s2 =	sand.u32 $0xFFFFFFFE, s8;
	_ =	swait.ge @p1 [sflag:s0], $0x22  }
0x1d4: {  	s4 =	simm.s32 @!p1 $0x0;
	s2 =	sadd.s32 @!p1 $0x4, s2;
	[sflag:s0] =	ssyncset.done @p1 $0x0  }
0x1d5: {  	s5 =	simm.s32 @!p1 $0x100;
	[sflag:s0] =	ssyncadd.s32 @p1 $0xFFFFFFDE;
	s0 =	sshll.u32 @!p1 s2, $0x1A  }
0x1d6: {  	s2 =	sshll.u32 @!p1 s2, $0xD;
	s0 =	sor.u32 @!p1 s0, s7;
	_ =	swait.eq @!p1 [sflag:s3], $0x1  }
0x1d7: {  	s2 =	sor.u32 @!p1 $0x1C04, s2;
	s3 =	simm.s32 @!p1 $0x1C03;
	s0 =	sor.u32 @!p1 $0x80004000, s0  }
0x1d8: {  	[spmem:s5], [sflag:s2] =	dma.general @!p1 [spmem:s4], [sflag:s3], length:$0x20, [dreg:$0x0], stride_count:$0x0, ici_dest:s0, dma_misc:DstOpCode:WRITE  }
0x1d9: {  	p2 =	slt.s32 s9, $0x2;
	s4 =	simm.s32 @!p1 $0x200;
	s5 =	simm.s32 @!p1 $0x202  }
0x1da: {  	[spmem:s5], [sflag:s2] =	dma.general @!p1 [spmem:s4], [sflag:s3], length:$0x2, [dreg:$0x0], stride_count:$0x0, ici_dest:s0, dma_misc:DstOpCode:WRITE  }
.Ltmp27:
0x1db: {  	s0 =	simm.s32 @!p1 $0x3;
	(pc) =	sbr.rel @p2 .LBB2_38-.Ltmp27, $4  }
0x1dc: {  	s2 =	sshll.u32 @!p1 s8, $0xE;
	_ =	swait.ge @!p1 [sflag:s0], $0x22  }
0x1dd: {  	s3 =	sshll.u32 @!p1 s7, $0x11;
	s2 =	sadd.s32 @!p1 $0x11C3C, s2;
	[sflag:s0] =	ssyncset.done @!p1 $0x0  }
0x1de: {  	[sflag:s0] =	ssyncadd.s32 @!p1 $0xFFFFFFDE;
	s0 =	sor.u32 @!p1 s3, s2  }
0x1df: {  	[sflag:s0] =	ssyncadd.remote.s32 @!p1 $0xFFFFFFFF;
	s0 =	simm.s32 $0x0  }
0x1e0: {  	s0 =	simm.s32 $0xF219  }
0x1e1: {  	v0 =	vld.msk [tilespmem:s0+$0x0], $0x1;
	_ =	sdelay $0x4  }
0x1e2: {  	(v2sf) =	vpush v0, $0x0;
	_ =	sdelay $0xb  }
0x1e3: {  	s31 =	sadd.s32 $0xFFFFFFFE, s6  }
0x1e4: {  	s0 =	sadd.s32 $0xFFFFFFFF, s31  }
0x1e5: {  	p2 =	sne.s32 s0, $0x0  }
.Ltmp28:
0x1e6: {  	s2 =	spop (v2sf);
	(pc) =	sbr.rel @!p2 .LBB2_37-.Ltmp28, $4  }
0x1e7: {  	s4 =	simm.s32 $0xF2B8;
	s7 =	simm.s32 $0x0;
	p1 =	sgt.u32 s2, $0xC34F0  }
0x1e8: {  	s5 =	simm.s32 $0x0;
	s6 =	simm.s32 $0xF21A;
	s3 =	sand.u32 @!p1 $0xFFFF8, s2  }
0x1e9: {  	s2 =	sand.u32 @!p1 $0x7, s2;
	s7 =	simm.s32 @!p1 $0x200;
	s3 =	sadd.s32 @!p1 s1, s3  }
0x1ea: {  	[hbm4b:s3+s2] =	stream.linear.scatter @!p1 [tilespmem:s4], [sflag:$0x5], $0x80, $0x38;
	[tilespmem:$0x1F6F8] =	vst v63  }
.LBB2_36:
0x1eb: {  	v0 =	vld.msk [tilespmem:s6+$0x0], $0x1;
	s0 =	sadd.s32 $0xFFFFFFFF, s0;
	s5 =	sadd.s32 s5, s7  }
0x1ec: {  	p1 =	sne.s32 s0, $0x0;
	_ =	sdelay $0x3  }
0x1ed: {  	(v2sf) =	vpush v0, $0x0;
	_ =	sdelay $0xe  }
.Ltmp29:
0x1ee: {  	s2 =	spop (v2sf);
	(pc) =	sbr.rel @p1 .LBB2_36-.Ltmp29, $4  }
0x1ef: {  	s7 =	simm.s32 $0x0;
	p2 =	sgt.u32 s2, $0xC34F0  }
0x1f0: {  	s4 =	sadd.s32 $0x80, s4;
	s7 =	simm.s32 @!p2 $0x200;
	s3 =	sand.u32 @!p2 $0xFFFF8, s2  }
0x1f1: {  	s6 =	sadd.s32 $0x1, s6;
	s2 =	sand.u32 @!p2 $0x7, s2;
	s3 =	sadd.s32 @!p2 s1, s3  }
0x1f2: {  	[hbm4b:s3+s2] =	stream.linear.scatter @!p2 [tilespmem:s4], [sflag:$0x5], $0x80, $0x38;
	[tilespmem:$0x1F6F8] =	vst v63  }
.LBB2_37:
0x1f3: {  	s0 =	sadd.s32 s5, s7  }
0x1f4: {  	s0 =	sshrl.u32 s0, $0x2  }
.LBB2_38:
0x1f5: {  	s2 =	simm.s32 $0x5  }
0x1f6: {  	_ =	swait.ge [sflag:s2], s0  }
0x1f7: {  	s31 =	ssub.s32 $0x0, s0;
	[sflag:s2] =	ssyncset.done $0x0  }
0x1f8: {  	[sflag:s2] =	ssyncadd.s32 s31  }
0x1f9: {  	[sflag:s2] =	ssyncpa.u1 $0x1  }
.LBB2_39:
0x1fa: {  	s0 =	sor.u32 s15, s16  }
0x1fb: {  	p1 =	sne.s32 s0, $0x0  }
.Ltmp30:
0x1fc: {  	_ = 	snop;
	(pc) =	sbr.rel @p1 .LBB2_54-.Ltmp30, $3  }
0x1fd: {  	_ =	sdelay $0x1  }
0x1fe: {  	[bflag:$0x0] =	sbarrier.arrive $0xFFFF  }
0x1ff: {  	_ =	sfence  }
0x200: {  	s0 =	simm.s32 $0x7  }
0x201: {  	s2 =	simm.s32 $0x1000;
	s3 =	simm.s32 $0xF218;
	[sflag:s0] =	ssyncpa.u1 $0x0  }
0x202: {  	[tilespmem:s3], [sflag:$0x7] =	stream.linear.gather [spmem:s2], $0x20, $0x38;
	[tilespmem:$0x1F6F8] =	vst v63  }
0x203: {  	s30 =	simm.s32 $0xF238;
	s2 =	simm.s32 $0x0  }
0x204: {  	[tilespmem:s30], [sflag:$0x7] =	stream.linear.gather [spmem:s2], $0x1000, $0x38;
	[tilespmem:$0x1F6F8] =	vst v63  }
.Ltmp31:
0x205: {  	_ = 	snop;
	(pc) =	sbr.rel .LBB2_41-.Ltmp31, $4  }
0x206: {  	_ =	swait.ge [sflag:s0], $0x1020  }
0x207: {  	[sflag:s0] =	ssyncset.done $0x0  }
0x208: {  	s31 =	simm.s32 $0x8;
	[sflag:s0] =	ssyncadd.s32 $0xFFFFEFE0  }
0x209: {  	s3 =	simm.s32 $0x0;
	[sflag:s31] =	ssyncpa.u1 $0x0  }
.LBB2_47:
0x20a: {  	p1 =	slt.u32 s4, $0xC34F1  }
0x20b: {  	s0 =	sand.u32 @p1 $0xFFFF8, s4  }
0x20c: {  	s4 =	sand.u32 @p1 $0x7, s4;
	s5 =	simm.s32 @p1 $0xF188;
	s0 =	sadd.s32 @p1 s1, s0  }
0x20d: {  	[tilespmem:s5], [sflag:$0x8] =	stream.linear.gather @p1 [hbm4b:s0+s4], $0x80, $0x38;
	[tilespmem:$0x1F6F8] =	vst v63  }
0x20e: {  	s0 =	simm.s32 @p1 $0x8  }
0x20f: {  	_ =	swait.ge @p1 [sflag:s0], $0x80  }
0x210: {  	[sflag:s0] =	ssyncset.done @p1 $0x0  }
0x211: {  	[sflag:s0] =	ssyncadd.s32 @p1 $0xFFFFFF80  }
0x212: {  	v1 =	vld @p1 [tilespmem:$0xF188];
	_ =	sdelay $0x2  }
0x213: {  	s0 =	sshll.u32 @p1 s3, $0x9  }
0x214: {  	s4 =	sshrl.u32 @p1 s0, $0x2  }
0x215: {  	[tilespmem:s4+$0xF238] =	vst.add.f32.msk @p1 $0xffff, v1  }
0x216: {  	v1 =	vld @p1 [tilespmem:$0xF198];
	_ =	sdelay $0x4  }
0x217: {  	[tilespmem:s4+$0xF248] =	vst.add.f32.msk @p1 $0xffff, v1  }
0x218: {  	v1 =	vld @p1 [tilespmem:$0xF1A8];
	_ =	sdelay $0x4  }
0x219: {  	[tilespmem:s4+$0xF258] =	vst.add.f32.msk @p1 $0xffff, v1  }
0x21a: {  	v1 =	vld @p1 [tilespmem:$0xF1B8];
	_ =	sdelay $0x4  }
0x21b: {  	[tilespmem:s4+$0xF268] =	vst.add.f32.msk @p1 $0xffff, v1  }
0x21c: {  	v1 =	vld @p1 [tilespmem:$0xF1C8];
	_ =	sdelay $0x4  }
0x21d: {  	[tilespmem:s4+$0xF278] =	vst.add.f32.msk @p1 $0xffff, v1  }
0x21e: {  	v1 =	vld @p1 [tilespmem:$0xF1D8];
	_ =	sdelay $0x4  }
0x21f: {  	[tilespmem:s4+$0xF288] =	vst.add.f32.msk @p1 $0xffff, v1  }
0x220: {  	v1 =	vld @p1 [tilespmem:$0xF1E8];
	_ =	sdelay $0x4  }
0x221: {  	[tilespmem:s4+$0xF298] =	vst.add.f32.msk @p1 $0xffff, v1  }
0x222: {  	v1 =	vld @p1 [tilespmem:$0xF1F8];
	_ =	sdelay $0x3  }
0x223: {  	s5 =	sshll.u32 @!p1 s3, $0x9  }
0x224: {  	s5 =	smov.u32 @p1 s0;
	[tilespmem:s4+$0xF2A8] =	vst.add.f32.msk @p1 $0xffff, v1  }
0x225: {  	s0 =	sshrl.u32 s5, $0x2;
	[tilespmem:s2+$0xF218] =	vst.msk $0x1, v0  }
0x226: {  	v0 =	vld [tilespmem:s0+$0xF238];
	_ =	sdelay $0x2  }
0x227: {  	s31 =	sshll.u32 s2, $0x9  }
0x228: {  	s4 =	sshra.s32 s31, $0x2  }
0x229: {  	[tilespmem:s4+$0xF238] =	vst v0  }
0x22a: {  	v0 =	vld [tilespmem:s0+$0xF248];
	_ =	sdelay $0x4  }
0x22b: {  	[tilespmem:s4+$0xF248] =	vst v0  }
0x22c: {  	v0 =	vld [tilespmem:s0+$0xF258];
	_ =	sdelay $0x4  }
0x22d: {  	[tilespmem:s4+$0xF258] =	vst v0  }
0x22e: {  	v0 =	vld [tilespmem:s0+$0xF268];
	_ =	sdelay $0x4  }
0x22f: {  	[tilespmem:s4+$0xF268] =	vst v0  }
0x230: {  	v0 =	vld [tilespmem:s0+$0xF278];
	_ =	sdelay $0x4  }
0x231: {  	[tilespmem:s4+$0xF278] =	vst v0  }
0x232: {  	v0 =	vld [tilespmem:s0+$0xF288];
	_ =	sdelay $0x4  }
0x233: {  	[tilespmem:s4+$0xF288] =	vst v0  }
0x234: {  	v0 =	vld [tilespmem:s0+$0xF298];
	_ =	sdelay $0x4  }
0x235: {  	[tilespmem:s4+$0xF298] =	vst v0  }
0x236: {  	v0 =	vld [tilespmem:s0+$0xF2A8];
	_ =	sdelay $0x4  }
0x237: {  	s2 =	sadd.s32 $0x1, s2;
	[tilespmem:s4+$0xF2A8] =	vst v0  }
.LBB2_48:
0x238: {  	s3 =	sadd.s32 $0x1, s3  }
0x239: {  	p1 =	sne.s32 s3, $0x20  }
.Ltmp32:
0x23a: {  	_ = 	snop;
	(pc) =	sbr.rel @!p1 .LBB2_49-.Ltmp32, $1  }
0x23b: {  	_ =	sdelay $0x3  }
.LBB2_41:
0x23c: {  	v0 =	vld.msk [tilespmem:s3+$0xF218], $0x1;
	_ =	sdelay $0x4  }
0x23d: {  	(v2sf) =	vpush v0, $0x0;
	_ =	sdelay $0xe  }
0x23e: {  	s4 =	spop (v2sf)  }
0x23f: {  	p1 =	seq.s32 s4, $0xFFFFFFFF  }
.Ltmp33:
0x240: {  	_ = 	snop;
	(pc) =	sbr.rel @p1 .LBB2_48-.Ltmp33, $1  }
0x241: {  	_ =	sdelay $0x3  }
0x242: {  	p1 =	slt.s32 s2, $0x1  }
.Ltmp34:
0x243: {  	_ = 	snop;
	(pc) =	sbr.rel @p1 .LBB2_47-.Ltmp34, $1  }
0x244: {  	_ =	sdelay $0x3  }
0x245: {  	s5 =	simm.s32 $0xF218;
	p1 =	por $0x0, $0x0  }
0x246: {  	v1 =	vld.msk @!p1 [tilespmem:s5+$0x0], $0x1;
	_ =	sdelay $0x4  }
0x247: {  	(v2sf) =	vpush @!p1 v1, $0x0;
	_ =	sdelay $0xd  }
0x248: {  	p3 =	sne.s32 s2, $0x1  }
.Ltmp35:
0x249: {  	s0 =	spop @!p1 (v2sf);
	(pc) =	sbr.rel @!p3 .LBB2_45-.Ltmp35, $4  }
0x24a: {  	p2 =	seq.s32 @!p1 s4, s0  }
0x24b: {  	s6 =	simm.s32 $0x0;
	p2 =	por !p2, p1  }
0x24c: {  	s7 =	simm.s32 $0xFFFFFFFF;
	s6 =	simm.s32 @p2 $0xFFFFFFFF  }
0x24d: {  	s0 =	simm.s32 $0x1;
	s6 =	smov.u32 @p1 s7  }
.LBB2_44:
0x24e: {  	s7 =	smov.u32 s6;
	p1 =	sne.s32 s6, $0xFFFFFFFF  }
0x24f: {  	s5 =	sadd.s32 $0x1, s5;
	s6 =	smov.u32 s0;
	s0 =	sadd.s32 $0x1, s0  }
0x250: {  	p2 =	sne.s32 s2, s0;
	v1 =	vld.msk @!p1 [tilespmem:s5+$0x0], $0x1;
	_ =	sdelay $0x4  }
0x251: {  	(v2sf) =	vpush @!p1 v1, $0x0;
	_ =	sdelay $0xe  }
.Ltmp36:
0x252: {  	s8 =	spop @!p1 (v2sf);
	(pc) =	sbr.rel @p2 .LBB2_44-.Ltmp36, $4  }
0x253: {  	p3 =	seq.s32 @!p1 s4, s8  }
0x254: {  	p3 =	por !p3, p1  }
0x255: {  	s6 =	simm.s32 @p3 $0xFFFFFFFF  }
0x256: {  	s6 =	smov.u32 @p1 s7  }
.LBB2_45:
0x257: {  	p1 =	seq.s32 s6, $0xFFFFFFFF  }
.Ltmp37:
0x258: {  	_ = 	snop;
	(pc) =	sbr.rel @p1 .LBB2_47-.Ltmp37, $1  }
0x259: {  	_ =	sdelay $0x3  }
0x25a: {  	s0 =	sshll.u32 s3, $0x7  }
0x25b: {  	s0 =	sand.u32 $0x3FFFFF80, s0  }
0x25c: {  	v0 =	vld [tilespmem:s0+$0xF238];
	_ =	sdelay $0x2  }
0x25d: {  	s4 =	sshll.u32 s6, $0x9  }
0x25e: {  	s4 =	sshra.s32 s4, $0x2  }
0x25f: {  	[tilespmem:s4+$0xF238] =	vst.add.f32.msk $0xffff, v0  }
0x260: {  	v0 =	vld [tilespmem:s0+$0xF248];
	_ =	sdelay $0x4  }
0x261: {  	[tilespmem:s4+$0xF248] =	vst.add.f32.msk $0xffff, v0  }
0x262: {  	v0 =	vld [tilespmem:s0+$0xF258];
	_ =	sdelay $0x4  }
0x263: {  	[tilespmem:s4+$0xF258] =	vst.add.f32.msk $0xffff, v0  }
0x264: {  	v0 =	vld [tilespmem:s0+$0xF268];
	_ =	sdelay $0x4  }
0x265: {  	[tilespmem:s4+$0xF268] =	vst.add.f32.msk $0xffff, v0  }
0x266: {  	v0 =	vld [tilespmem:s0+$0xF278];
	_ =	sdelay $0x4  }
0x267: {  	[tilespmem:s4+$0xF278] =	vst.add.f32.msk $0xffff, v0  }
0x268: {  	v0 =	vld [tilespmem:s0+$0xF288];
	_ =	sdelay $0x4  }
0x269: {  	[tilespmem:s4+$0xF288] =	vst.add.f32.msk $0xffff, v0  }
0x26a: {  	v0 =	vld [tilespmem:s0+$0xF298];
	_ =	sdelay $0x4  }
0x26b: {  	[tilespmem:s4+$0xF298] =	vst.add.f32.msk $0xffff, v0  }
0x26c: {  	v0 =	vld [tilespmem:s0+$0xF2A8]  }
.Ltmp38:
0x26d: {  	_ = 	snop;
	(pc) =	sbr.rel .LBB2_48-.Ltmp38, $2  }
0x26e: {  	_ =	sdelay $0x2  }
0x26f: {  	[tilespmem:s4+$0xF2A8] =	vst.add.f32.msk $0xffff, v0  }
.LBB2_49:
0x270: {  	p1 =	slt.s32 s2, $0x1  }
.Ltmp39:
0x271: {  	_ = 	snop;
	(pc) =	sbr.rel @p1 .LBB2_53-.Ltmp39, $3  }
0x272: {  	_ =	sdelay $0x1  }
0x273: {  	s0 =	simm.s32 $0x8  }
0x274: {  	s3 =	simm.s32 $0x0;
	[sflag:s0] =	ssyncpa.u1 $0x1  }
0x275: {  	s0 =	simm.s32 $0xF218  }
0x276: {  	v0 =	vld.msk [tilespmem:s0+$0x0], $0x1;
	_ =	sdelay $0x4  }
0x277: {  	(v2sf) =	vpush v0, $0x0;
	_ =	sdelay $0xe  }
0x278: {  	s0 =	sadd.s32 $0xFFFFFFFF, s2;
	s5 =	spop (v2sf)  }
0x279: {  	p2 =	sne.s32 s0, $0x0;
	p1 =	sgt.u32 s5, $0xC34F0  }
.Ltmp40:
0x27a: {  	s6 =	sand.u32 @!p1 $0xFFFF8, s5;
	(pc) =	sbr.rel @!p2 .LBB2_52-.Ltmp40, $4  }
0x27b: {  	s4 =	simm.s32 $0xF238;
	s5 =	sand.u32 @!p1 $0x7, s5;
	s2 =	sadd.s32 @!p1 s1, s6  }
0x27c: {  	[hbm4b:s2+s5] =	stream.linear.scatter @!p1 [tilespmem:s4], [sflag:$0x7], $0x80, $0x38;
	[tilespmem:$0x1F6F8] =	vst v63  }
0x27d: {  	s5 =	simm.s32 $0x0  }
0x27e: {  	s2 =	simm.s32 $0xF219;
	s5 =	simm.s32 @!p1 $0x200  }
.LBB2_51:
0x27f: {  	v0 =	vld.msk [tilespmem:s2+$0x0], $0x1;
	s0 =	sadd.s32 $0xFFFFFFFF, s0;
	s3 =	sadd.s32 s3, s5  }
0x280: {  	p1 =	sne.s32 s0, $0x0;
	_ =	sdelay $0x3  }
0x281: {  	(v2sf) =	vpush v0, $0x0;
	_ =	sdelay $0xe  }
.Ltmp41:
0x282: {  	s6 =	spop (v2sf);
	(pc) =	sbr.rel @p1 .LBB2_51-.Ltmp41, $4  }
0x283: {  	s5 =	simm.s32 $0x0;
	p2 =	sgt.u32 s6, $0xC34F0  }
0x284: {  	s4 =	sadd.s32 $0x80, s4;
	s5 =	simm.s32 @!p2 $0x200;
	s7 =	sand.u32 @!p2 $0xFFFF8, s6  }
0x285: {  	s2 =	sadd.s32 $0x1, s2;
	s6 =	sand.u32 @!p2 $0x7, s6;
	s7 =	sadd.s32 @!p2 s1, s7  }
0x286: {  	[hbm4b:s7+s6] =	stream.linear.scatter @!p2 [tilespmem:s4], [sflag:$0x7], $0x80, $0x38;
	[tilespmem:$0x1F6F8] =	vst v63  }
.LBB2_52:
0x287: {  	s0 =	sadd.s32 s3, s5  }
0x288: {  	s3 =	sshrl.u32 s0, $0x2  }
.LBB2_53:
0x289: {  	s0 =	simm.s32 $0x7  }
0x28a: {  	_ =	swait.ge [sflag:s0], s3  }
0x28b: {  	s1 =	ssub.s32 $0x0, s3;
	[sflag:s0] =	ssyncset.done $0x0  }
0x28c: {  	[sflag:s0] =	ssyncadd.s32 s1  }
0x28d: {  	[sflag:s0] =	ssyncpa.u1 $0x1  }
.LBB2_54:
0x28e: {  	_ =	sfence;
	s0 =	simm.s32 $0x1  }
0x28f: {  	[sflag:s0] =	ssyncpa.u1 $0x1  }
0x290: {  	_ =	strace $0x9000004A  }
0x291: {  	[bflag:$0x2] =	sbarrier.arrive $0xFFFF  }
0x292: {  	s0 =	rddreg [dreg:$0x3]  }
0x293: {  	s0 =	sadd.s32 @!p0 $0x100000, s0  }
0x294: {  	[sflag:s0] =	ssyncadd.tile.s32 @!p0 $0x1;
	_ =	shalt  }
.Lfunc_end2:
_tile_overlayer_lowered:
.L_overlay_start_2:
0x295: {  	(tag) =	ssettag $0x2  }
0x296: {  	s0 =	rddreg [dreg:$0x0];
	s2 =	stileid.u32  }
0x297: {  	s1 =	rddreg [dreg:$0x1];
	p0 =	sne.s32 s2, $0x0  }
0x298: {  	s3 =	rddreg [dreg:$0x2];
	[bflag:$0x3] =	sbarrier.arrive $0xFFFF;
	s2 =	simm.s32 @!p0 $0x1C01  }
0x299: {  	[timem:s3], [sflag:s2] =	dma.local @!p0 [hbm:s0], s1  }
0x29a: {  	s0 =	simm.s32 @!p0 $0x1  }
0x29b: {  	_ =	swait.ge @!p0 [sflag:s0], s1  }
0x29c: {  	s1 =	ssub.s32 @!p0 $0x0, s1;
	[sflag:s0] =	ssyncset.done @!p0 $0x0  }
0x29d: {  	[sflag:s0] =	ssyncadd.s32 @!p0 s1  }
0x29e: {  	[bflag:$0x3] =	sbarrier.arrive $0xFFFF  }
0x29f: {  	_ =	shalt  }

// kernel: scatter_offload_async_start.2
scs
__scs_entry_jumppad:
0x0: {  	(pc) =	sbr.rel $0x88, $3  }
0x1: {  	(tag) =	ssettag $0x0;
	lr =	simm.s32 $0x1  }
0x2: {  	[smem:$0x3F9B] =	sst lr;
	_ =	strace $0xD0000000  }
0x3: {  	_ = 	snop  }
0x4: {  	_ = 	snop  }
0x5: {  	_ = 	snop  }
0x6: {  	_ = 	snop  }
0x7: {  	_ = 	snop  }
__scs_overlays_trampoline_lowered:
0x8: {  	[smem:$0x3FAA] =	sst s0  }
0x9: {  	[smem:$0x3FAB] =	sst s1  }
0xa: {  	[smem:$0x3FAC] =	sst s2  }
0xb: {  	[smem:$0x3FAD] =	sst s3  }
0xc: {  	[smem:$0x3FAE] =	sst s4  }
0xd: {  	[smem:$0x3FAF] =	sst s5  }
0xe: {  	[smem:$0x3FB0] =	sst s6  }
0xf: {  	[smem:$0x3FB1] =	sst s7  }
0x10: {  	[smem:$0x3FB2] =	sst s8  }
0x11: {  	[smem:$0x3FB3] =	sst s9;
	s0 =	simm.s32 @!p0 $0x0  }
0x12: {  	s1 =	sld [smem:$0x3F99];
	s0 =	simm.s32 @p0 $0x1  }
0x13: {  	[smem:$0x3FB4] =	sst s0;
	s0 =	simm.s32 @!p1 $0x0  }
0x14: {  	s2 =	sld [smem:$0x3F98];
	s0 =	simm.s32 @p1 $0x1  }
0x15: {  	[smem:$0x3FB5] =	sst s0;
	s0 =	simm.s32 @!p2 $0x0  }
0x16: {  	s3 =	sld [smem:$0x3FDB];
	s0 =	simm.s32 @p2 $0x1  }
0x17: {  	s4 =	simm.s32 $0x1BF5;
	[smem:$0x3FB7] =	sst s0  }
0x18: {  	s0 =	sld [smem:$0x3F9A];
	_ =	swait.ge [sflag:s4], $0x0  }
0x19: {  	s7 =	sld [smem:$0x3F9B]  }
0x1a: {  	s8 =	sadd.s32 $0xFFFFE003, lr  }
0x1b: {  	s9 =	sadd.s32 $0xFFFFFEF7, lr;
	s5 =	simm.s32 $0xFFFFFFFF;
	p2 =	slt.u32 s8, $0xFFFFF086  }
0x1c: {  	p1 =	slt.u32 s9, $0xF7A;
	s5 =	simm.s32 @!p2 $0x0  }
0x1d: {  	s5 =	simm.s32 @p1 $0x1;
	p0 =	seq.s32 s7, s2  }
0x1e: {  	s7 =	smul.u32 @!p0 $0xF7A, s2;
	p2 =	seq.s32 @!p0 s5, $0x0  }
0x1f: {  	s9 =	smul.u32 $0xF7A, s1;
	s8 =	simm.s32 @!p0 $0x1BF5;
	p2 =	por !p2, p0  }
0x20: {  	[sflag:s8] =	ssyncset.s32 @!p0 $0xFFFFF086;
	s6 =	sadd.s32 @!p0 s3, s7;
	s7 =	simm.s32 @!p0 $0x108  }
0x21: {  	s3 =	sadd.s32 s3, s9;
	s6 =	sadd.s32 @!p0 $0x88, s6;
	s7 =	simm.s32 @p2 $0x1082  }
0x22: {  	[simem:s7], [sflag:s8] =	dma.local @!p0 [hbm:s6], $0xF7A  }
0x23: {  	s9 =	sor.u32 $0xD0000000, s2;
	s6 =	simm.s32 $0x108;
	_ =	swait.ge @!p0 [sflag:s8], $0x0  }
0x24: {  	s3 =	sadd.s32 $0x88, s3;
	s6 =	simm.s32 @!p1 $0x1082;
	[sflag:s4] =	ssyncset.s32 $0xFFFFF086  }
0x25: {  	[simem:s6], [sflag:s4] =	dma.local [hbm:s3], $0xF7A  }
0x26: {  	[smem:$0x3F9B] =	sst s1;
	(tag) =	ssettag s2;
	_ =	strace s9  }
0x27: {  	s1 =	sld [smem:$0x3FAB]  }
0x28: {  	s2 =	sld [smem:$0x3FAC]  }
0x29: {  	s4 =	sld [smem:$0x3FAE]  }
0x2a: {  	p0 =	seq.s32 s5, $0x0;
	s5 =	sld [smem:$0x3FAF]  }
0x2b: {  	s6 =	sld [smem:$0x3FB0]  }
0x2c: {  	s7 =	sld [smem:$0x3FB1]  }
0x2d: {  	s3 =	simm.s32 $0x108;
	s8 =	sld [smem:$0x3FB2]  }
0x2e: {  	s3 =	simm.s32 @!p0 $0x1082;
	s9 =	sld [smem:$0x3FB3]  }
0x2f: {  	lr =	sadd.s32 s0, s3;
	s0 =	sld [smem:$0x3FAA]  }
0x30: {  	s3 =	sld [smem:$0x3FAD]  }
0x31: {  	[smem:$0x3FB6] =	sst s10  }
0x32: {  	s10 =	sld [smem:$0x3FB4];
	_ =	sdelay $0x3  }
0x33: {  	p0 =	seq.s32 s10, $0x1;
	s10 =	sld [smem:$0x3FB6];
	_ =	sdelay $0x3  }
0x34: {  	[smem:$0x3FB6] =	sst s10  }
0x35: {  	s10 =	sld [smem:$0x3FB5];
	_ =	sdelay $0x3  }
0x36: {  	p1 =	seq.s32 s10, $0x1;
	s10 =	sld [smem:$0x3FB6];
	_ =	sdelay $0x3  }
0x37: {  	[smem:$0x3FB6] =	sst s10  }
0x38: {  	s10 =	sld [smem:$0x3FB7]  }
0x39: {  	_ = 	snop;
	(pc) =	sbr.ind lr, $3  }
0x3a: {  	_ = 	snop  }
0x3b: {  	_ = 	snop  }
0x3c: {  	p2 =	seq.s32 s10, $0x1;
	s10 =	sld [smem:$0x3FB6]  }
0x3d: {  	_ =	shalt  }
0x3e: {  	_ =	shalt  }
0x3f: {  	_ =	shalt  }
0x40: {  	_ =	shalt  }
0x41: {  	_ =	shalt  }
0x42: {  	_ =	shalt  }
0x43: {  	_ =	shalt  }
0x44: {  	_ =	shalt  }
0x45: {  	_ =	shalt  }
0x46: {  	_ =	shalt  }
0x47: {  	_ =	shalt  }
0x48: {  	_ =	shalt  }
0x49: {  	_ =	shalt  }
0x4a: {  	_ =	shalt  }
0x4b: {  	_ =	shalt  }
0x4c: {  	_ =	shalt  }
0x4d: {  	_ =	shalt  }
0x4e: {  	_ =	shalt  }
0x4f: {  	_ =	shalt  }
0x50: {  	_ =	shalt  }
0x51: {  	_ =	shalt  }
0x52: {  	_ =	shalt  }
0x53: {  	_ =	shalt  }
0x54: {  	_ =	shalt  }
0x55: {  	_ =	shalt  }
0x56: {  	_ =	shalt  }
0x57: {  	_ =	shalt  }
0x58: {  	_ =	shalt  }
0x59: {  	_ =	shalt  }
0x5a: {  	_ =	shalt  }
0x5b: {  	_ =	shalt  }
0x5c: {  	_ =	shalt  }
0x5d: {  	_ =	shalt  }
0x5e: {  	_ =	shalt  }
0x5f: {  	_ =	shalt  }
0x60: {  	_ =	shalt  }
0x61: {  	_ =	shalt  }
0x62: {  	_ =	shalt  }
0x63: {  	_ =	shalt  }
0x64: {  	_ =	shalt  }
0x65: {  	_ =	shalt  }
0x66: {  	_ =	shalt  }
0x67: {  	_ =	shalt  }
0x68: {  	_ =	shalt  }
0x69: {  	_ =	shalt  }
0x6a: {  	_ =	shalt  }
0x6b: {  	_ =	shalt  }
0x6c: {  	_ =	shalt  }
0x6d: {  	_ =	shalt  }
0x6e: {  	_ =	shalt  }
0x6f: {  	_ =	shalt  }
0x70: {  	_ =	shalt  }
0x71: {  	_ =	shalt  }
0x72: {  	_ =	shalt  }
0x73: {  	_ =	shalt  }
0x74: {  	_ =	shalt  }
0x75: {  	_ =	shalt  }
0x76: {  	_ =	shalt  }
0x77: {  	_ =	shalt  }
0x78: {  	_ =	shalt  }
0x79: {  	_ =	shalt  }
0x7a: {  	_ =	shalt  }
0x7b: {  	_ =	shalt  }
0x7c: {  	_ =	shalt  }
0x7d: {  	_ =	shalt  }
0x7e: {  	_ =	shalt  }
0x7f: {  	_ =	shalt  }
0x80: {  	_ =	shalt  }
0x81: {  	_ =	shalt  }
0x82: {  	_ =	shalt  }
0x83: {  	_ =	shalt  }
0x84: {  	_ =	shalt  }
0x85: {  	_ =	shalt  }
0x86: {  	_ =	shalt  }
0x87: {  	_ =	shalt  }
.Lfunc_end0:
.L_simem_size_0:
called_computation.2_lowered:
.L_overlay_start_0:
0x88: {  	s2 =	sld [smem:$0x3FD9]  }
0x89: {  	s3 =	sld [smem:$0x3FFE];
	_ =	sdelay $0x1  }
0x8a: {  	s1 =	srdreg.scid  }
0x8b: {  	s0 =	sand.u32 $0x1, s1  }
0x8c: {  	s15 =	sshll.u32 s0, $0xA;
	s2 =	sadd.s32 s3, s2  }
0x8d: {  	s2 =	sadd.s32 s2, s15  }
0x8e: {  	[smem:$0x3FC2] =	sst s2  }
0x8f: {  	_ = 	snop  }
0x90: {  	(tm) =	ssettm $0x1  }
0x91: {  	s16 =	sld [smem:$0x3FFB];
	_ =	sdelay $0x3  }
0x92: {  	_ =	strace s16  }
0x93: {  	s2 =	sld [smem:$0x3FFC];
	_ =	sdelay $0x3  }
0x94: {  	_ =	strace s2  }
0x95: {  	s2 =	sld [smem:$0x3FFD];
	_ =	sdelay $0x3  }
0x96: {  	_ =	strace s2  }
0x97: {  	_ =	strace $0x8FFFFFFF  }
0x98: {  	s17 =	sld [smem:$0x3FDB];
	_ =	sdelay $0x1  }
0x99: {  	s18 =	simm.s32 $_scs_section_size  }
0x9a: {  	s4 =	simm.s32 $_size__tile_overlayer_lowered;
	s5 =	simm.s32 $_tile_overlayer_lowered  }
0x9b: {  	s21 =	simm.s32 $0x1BFF;
	s20 =	sshll.u32 s5, $0x1;
	s2 =	sadd.s32 s18, s17  }
0x9c: {  	s6 =	simm.s32 $0x0;
	s19 =	sshll.u32 s4, $0x1;
	s4 =	sadd.s32 s20, s2  }
0x9d: {  	[timem:s6], [sflag:s21] =	dma.local [hbm:s4], s19  }
0x9e: {  	_ =	swait.ge [sflag:s21], s19  }
0x9f: {  	s3 =	ssub.s32 $0x0, s19;
	[sflag:s21] =	ssyncset.done $0x0  }
0xa0: {  	[sflag:s21] =	ssyncadd.s32 s3;
	_ =	sdelay $0x1  }
0xa1: {  	s22 =	simm.s32 $0x1B8B  }
0xa2: {  	_ =	swait.ge [sflag:s22], $0x1  }
0xa3: {  	[sflag:s22] =	ssyncset.done $0x0  }
0xa4: {  	s23 =	sld [smem:$0x3FFE];
	[sflag:s22] =	ssyncadd.s32 $0xFFFFFFFF  }
0xa5: {  	s25 =	simm.s32 $0x1B8E;
	s24 =	sld [smem:$0x0]  }
0xa6: {  	s26 =	simm.s32 $execute0_lowered;
	[smem:$0x3FD2] =	sst s25  }
0xa7: {  	s5 =	sshll.u32 s26, $0x1;
	_ =	strace $0x8000004C;
	[dreg:$0x1] =	wrdreg $0xFFFFFFFF  }
0xa8: {  	s28 =	simm.s32 $_size_execute0_lowered;
	s2 =	sadd.s32 s2, s5;
	[dreg:$0x0] =	wrdreg $0x0  }
0xa9: {  	s5 =	sshll.u32 s28, $0x1;
	[dreg:$0x2] =	wrdreg s2  }
0xaa: {  	[dreg:$0x3] =	wrdreg s5  }
0xab: {  	[dreg:$0x4] =	wrdreg $0xC0  }
0xac: {  	_ =	task [dreg:s6], $0x5FFFF  }
0xad: {  	[dreg:$0x1] =	wrdreg $0xFFFFFFFF  }
0xae: {  	[dreg:$0x0] =	wrdreg $0x60  }
0xaf: {  	[dreg:$0x2] =	wrdreg s23  }
0xb0: {  	[dreg:$0x3] =	wrdreg s1  }
0xb1: {  	[dreg:$0x4] =	wrdreg s24  }
0xb2: {  	[dreg:$0x5] =	wrdreg $0x9  }
0xb3: {  	_ =	task.clear_ibuf [dreg:s6], $0x6FFFF;
	_ =	strace $0x9000004C  }
0xb4: {  	s29 =	simm.s32 $0x9;
	_ =	strace $0x8000004E  }
0xb5: {  	_ =	swait.ge [sflag:s29], $0x1  }
0xb6: {  	[sflag:s29] =	ssyncadd.s32 $0xFFFFFFFF  }
0xb7: {  	_ =	strace $0x9000004E  }
0xb8: {  	_ =	sfence  }
0xb9: {  	s30 =	sld [smem:$0x0];
	_ =	sdelay $0x2  }
0xba: {  	s31 =	sshll.u32 s1, $0xD;
	s1 =	sshrl.u32 s1, $0x2  }
0xbb: {  	s3 =	sand.u32 $0x4000, s31;
	s1 =	sadd.s32 s1, s30  }
0xbc: {  	s0 =	sor.u32 s3, s0;
	s1 =	sshll.u32 s1, $0x11  }
0xbd: {  	s0 =	sor.u32 s1, s0  }
0xbe: {  	s0 =	sadd.s32 $0x8F2B, s0  }
0xbf: {  	[sflag:s0] =	ssyncadd.remote.s32 $0x1  }
0xc0: {  	_ =	sfence.sel $0xFFFF  }
0xc1: {  	[dreg:$0x0] =	wrdreg $0xFFFFFFFF;
	(pc) =	sbr.abs _section_cstart, $3  }
0xc2: {  	[dreg:$0x1] =	wrdreg $0xFFFFFFFF  }
0xc3: {  	_ =	task.clear_ibuf [dreg:s6], $0x2FFFF;
	_ =	strace $0x9FFFFFFF  }
0xc4: {  	(tm) =	ssettm $0x7FFFFFFF  }
0xc5: {  	_ =	shalt  }
tec
execute0_lowered:
.L_overlay_start_1:
0x0: {  	(tag) =	ssettag $0x1  }
0x1: {  	s2 =	rddreg [dreg:$0x0]  }
0x2: {  	s3 =	rddreg [dreg:$0x1];
	_ =	strace $0x8000004D;
	s0 =	simm.s32 $0x1  }
0x3: {  	v0 =	vimm.s32 $0x0;
	[sflag:s0] =	ssyncpa.u1 $0x0;
	s0 =	simm.s32 $0x108  }
0x4: {  	[tilespmem:s0+$0x70] =	vst v0  }
0x5: {  	[tilespmem:s0+$0x60] =	vst v0  }
0x6: {  	[tilespmem:s0+$0x50] =	vst v0  }
0x7: {  	[tilespmem:s0+$0x40] =	vst v0  }
0x8: {  	[tilespmem:s0+$0x30] =	vst v0  }
0x9: {  	s1 =	sadd.s32 $0x49800, s2;
	s15 =	sadd.s32 $0x18800, s2;
	s6 =	sadd.s32 $0x10CE00, s2;
	[tilespmem:s0+$0x20] =	vst v0  }
0xa: {  	s14 =	sadd.s32 $0x31000, s2;
	s5 =	sand.u32 $0x1, s3;
	s3 =	simm.s32 $0x40;
	[tilespmem:s0+$0x10] =	vst v0  }
.LBB2_1:
0xb: {  	s3 =	sadd.s32 $0x40, s3;
	[tilespmem:s0+$0x0] =	vst v0;
	s0 =	sadd.s32 $0x80, s0  }
0xc: {  	p0 =	slt.u32 s3, $0x3C40;
	[tilespmem:s0+$0x70] =	vst v0  }
0xd: {  	[tilespmem:s0+$0x60] =	vst v0  }
.Ltmp0:
0xe: {  	[tilespmem:s0+$0x50] =	vst v0;
	(pc) =	sbr.rel @p0 .LBB2_1-.Ltmp0, $4  }
0xf: {  	[tilespmem:s0+$0x40] =	vst v0  }
0x10: {  	[tilespmem:s0+$0x30] =	vst v0  }
0x11: {  	[tilespmem:s0+$0x20] =	vst v0  }
0x12: {  	[tilespmem:s0+$0x10] =	vst v0  }
0x13: {  	s9 =	stileid.u32  }
0x14: {  	s2 =	smul.u32 $0x68, s9  }
0x15: {  	s3 =	smin.u32 s9, $0x3  }
0x16: {  	s2 =	sor.u32 s3, s2  }
0x17: {  	p0 =	slt.u32 s9, $0x3;
	s7 =	smul.u32 $0xF0, s2;
	s2 =	simm.s32 $0x6270  }
0x18: {  	s2 =	simm.s32 @!p0 $0x6180  }
0x19: {  	s2 =	sadd.s32 s2, s7  }
0x1a: {  	s8 =	smin.u32 s2, $0x61A80  }
0x1b: {  	s2 =	ssub.s32 s8, s7  }
0x1c: {  	p0 =	sgt.s32 s2, $0x0  }
0x1d: {  	s29 =	simm.s32 $0x2;
	s10 =	simm.s32 $0x9;
	s2 =	simm.s32 @!p0 $0x0  }
0x1e: {  	s4 =	simm.s32 $0xA;
	s11 =	simm.s32 $0xB;
	s28 =	smulhi.u32 $0x88888889, s2  }
0x1f: {  	[dreg:$0x4] =	wrdreg s5;
	s31 =	smul.u32 $0xC350, s5;
	s12 =	simm.s32 $0x1  }
0x20: {  	s22 =	simm.s32 $0x0;
	s18 =	simm.s32 $0xC;
	s30 =	sshrl.u32 s28, $0x7  }
0x21: {  	s20 =	simm.s32 $0x0;
	s21 =	simm.s32 $0x0;
	s3 =	smul.u32 $0xF0, s30  }
.Ltmp1:
0x22: {  	[tilespmem:s0+$0x0] =	vst v0;
	v0 =	vimm.s32 $0xFFFFFFFF;
	[sflag:s29] =	ssyncpa.u1 $0x0;
	s16 =	sshll.u32 s9, $0x8;
	(pc) =	sbr.rel .LBB2_3-.Ltmp1, $4  }
0x23: {  	[tilespmem:$0xF208] =	vst v0;
	[sflag:s10] =	ssyncpa.u1 $0x0;
	p0 =	sne.s32 s2, s3;
	s2 =	simm.s32 $0x1  }
0x24: {  	s14 =	sadd.s32 s31, s14;
	[sflag:s4] =	ssyncpa.u1 $0x0;
	s2 =	simm.s32 @!p0 $0x0  }
0x25: {  	s15 =	sadd.s32 s31, s15;
	[sflag:s11] =	ssyncpa.u1 $0x0;
	s13 =	sadd.s32 s2, s30  }
0x26: {  	v0 =	vlaneseq.u32;
	s19 =	smov.u32 s7;
	p0 =	por $0x0, $0x0;
	s17 =	sadd.s32 $0x1, s13  }
.LBB2_18:
0x27: {  	s0 =	sshrl.u32 s31, $0x2  }
.LBB2_20:
0x28: {  	_ =	swait.ge [sflag:s18], s0  }
0x29: {  	s31 =	ssub.s32 $0x0, s0;
	v1 =	vmov s24;
	vm0 =	veq.s32 v0, $0x0;
	[sflag:s18] =	ssyncset.done $0x0  }
0x2a: {  	vm15 =	veq.s32 v0, $0x2;
	v1 =	vsel vm0, s30, v1;
	[sflag:s18] =	ssyncadd.s32 s31  }
0x2b: {  	v1 =	vsel vm15, s22, v1;
	[sflag:s18] =	ssyncpa.u1 $0x1  }
0x2c: {  	[tilespmem:$0xF208] =	vst v1  }
.LBB2_21:
0x2d: {  	s0 =	sadd.s32 $0xF0, s19  }
0x2e: {  	s2 =	smov.u32 s7;
	p1 =	slt.s32 s0, s8  }
0x2f: {  	s2 =	smov.u32 @p1 s0;
	p1 =	sne.s32 s21, s17  }
.Ltmp2:
0x30: {  	_ = 	snop;
	(pc) =	sbr.rel @!p1 .LBB2_22-.Ltmp2, $3  }
0x31: {  	_ =	sdelay $0x1  }
0x32: {  	s22 =	smov.u32 s20;
	s31 =	sadd.s32 $0x1, s21;
	s20 =	smov.u32 s19  }
0x33: {  	p0 =	por !p0, !p0;
	s21 =	smov.u32 s31;
	s19 =	smov.u32 s2  }
.LBB2_3:
0x34: {  	p1 =	sge.u32 s21, s13  }
0x35: {  	s0 =	smulhi.u32 @!p1 $0xAAAAAAAB, s21  }
0x36: {  	s2 =	smov.u32 s19;
	p2 =	sgt.s32 @!p1 s19, $0x61990  }
0x37: {  	s3 =	sshra.s32 @!p1 s19, $0x1F;
	p2 =	por !p2, p1;
	s0 =	sshrl.u32 @!p1 s0, $0x1  }
0x38: {  	s3 =	sand.u32 @!p1 s3, s19;
	s2 =	simm.s32 @p2 $0x61990;
	s0 =	smul.u32 @!p1 $0x3, s0  }
0x39: {  	s2 =	ssub.s32 @!p1 s2, s3  }
0x3a: {  	s2 =	sadd.s32 @!p1 $0xFFF9E670, s2;
	s0 =	ssub.s32 @!p1 s21, s0  }
0x3b: {  	s3 =	sshll.u32 @!p1 s2, $0x2;
	p2 =	sgt.s32 @!p1 s2, $0xEF;
	s0 =	smul.u32 @!p1 $0x3C0, s0  }
0x3c: {  	s4 =	sand.u32 @!p1 $0x7, s19;
	s2 =	ssub.s32 @!p1 $0x3C0, s3;
	p2 =	por !p2, p1  }
0x3d: {  	s3 =	sshrl.u32 @!p1 s19, $0x3;
	s2 =	sshrl.u32 @!p1 s2, $0x2;
	s0 =	sshrl.u32 @!p1 s0, $0x2  }
0x3e: {  	s3 =	sadd.s32 @!p1 s3, s14;
	s2 =	simm.s32 @!p2 $0x0;
	s0 =	sadd.s32 @!p1 $0x10248, s0  }
0x3f: {  	[tilespmem:s0], [sflag:$0xA] =	stream.linear.gather @!p1 [hbm4b:s3+s4], s2, $0x38;
	[tilespmem:$0x1F6F8] =	vst v63  }
0x40: {  	s0 =	sadd.s32 $0xFFFFFFFF, s21  }
0x41: {  	p1 =	sge.u32 s0, s13  }
0x42: {  	p2 =	sgt.s32 @!p1 s20, $0x61990  }
0x43: {  	s2 =	smov.u32 s20;
	s3 =	sshra.s32 @!p1 s20, $0x1F;
	p2 =	por !p2, p1  }
0x44: {  	s3 =	sand.u32 @!p1 s3, s20;
	s2 =	simm.s32 @p2 $0x61990  }
0x45: {  	s2 =	ssub.s32 @!p1 s2, s3  }
0x46: {  	s2 =	sadd.s32 @!p1 $0xFFF9E670, s2  }
0x47: {  	s4 =	sand.u32 @!p1 $0x1, s0;
	s3 =	sshll.u32 @!p1 s2, $0x2  }
0x48: {  	p2 =	sgt.s32 @!p1 s2, $0xEF;
	s2 =	ssub.s32 @!p1 $0x3C0, s3;
	s3 =	smulhi.u32 @!p1 $0xAAAAAAAB, s0  }
0x49: {  	s23 =	smul.u32 @!p1 $0x3C0, s4;
	p2 =	por !p2, p1;
	s2 =	sshrl.u32 @!p1 s2, $0x2  }
0x4a: {  	s5 =	simm.s32 @!p1 $0xA;
	s2 =	simm.s32 @!p2 $0x0;
	s3 =	sshrl.u32 @!p1 s3, $0x1  }
0x4b: {  	s23 =	sshrl.u32 @!p1 s23, $0x2;
	_ =	swait.ge @!p1 [sflag:s5], s2;
	s3 =	smul.u32 @!p1 $0x3, s3  }
0x4c: {  	s23 =	sadd.s32 @!p1 $0x10518, s23;
	s24 =	ssub.s32 @!p1 $0x0, s2;
	[sflag:s5] =	ssyncset.done @!p1 $0x0  }
0x4d: {  	[sflag:s5] =	ssyncadd.s32 @!p1 s24;
	s5 =	sshrl.u32 @!p1 s20, $0x3;
	s0 =	ssub.s32 @!p1 s0, s3  }
0x4e: {  	s24 =	sand.u32 @!p1 $0x7, s20;
	s5 =	sadd.s32 @!p1 s5, s15;
	s0 =	smul.u32 @!p1 $0x3C0, s0  }
0x4f: {  	[tilespmem:s23], [sflag:$0xB] =	stream.linear.gather @!p1 [hbm4b:s5+s24], s2, $0x38;
	[tilespmem:$0x1F6F8] =	vst v63  }
0x50: {  	s3 =	ssub.s32 @!p1 $0x61A80, s20;
	s2 =	smul.u32 @!p1 $0x1E000, s4  }
0x51: {  	p2 =	slt.s32 @!p1 s3, $0xF0  }
0x52: {  	p2 =	por !p2, p1;
	s0 =	sshrl.u32 @!p1 s0, $0x2;
	s2 =	sshrl.u32 @!p1 s2, $0x2  }
0x53: {  	s3 =	simm.s32 @p2 $0xF0;
	s0 =	sadd.s32 @!p1 $0x10248, s0;
	s2 =	sor.u32 @!p1 $0x106F8, s2  }
0x54: {  	[tilespmem:s2], [sflag:$0x9] =	stream.indirect.gather @!p1 [hbm4b:s6+s3], $0x80, s0, s3, $0xb8;
	[tilespmem:$0x1F6F8] =	vst v63  }
0x55: {  	p1 =	slt.u32 s21, $0x2  }
.Ltmp3:
0x56: {  	_ = 	snop;
	(pc) =	sbr.rel @p1 .LBB2_21-.Ltmp3, $1  }
0x57: {  	_ =	sdelay $0x3  }
0x58: {  	p1 =	sgt.s32 s22, $0x61990  }
0x59: {  	s0 =	smov.u32 s22;
	s2 =	sshra.s32 s22, $0x1F;
	s3 =	ssub.s32 $0x61A80, s22  }
0x5a: {  	s0 =	simm.s32 @!p1 $0x61990;
	s2 =	sand.u32 s2, s22;
	p1 =	slt.s32 s3, $0xF0  }
0x5b: {  	s0 =	ssub.s32 s0, s2;
	s3 =	simm.s32 @!p1 $0xF0  }
0x5c: {  	s0 =	sadd.s32 $0xFFF9E670, s0;
	s25 =	sshll.u32 s3, $0x7  }
0x5d: {  	s26 =	sshll.u32 s0, $0x2;
	s2 =	sand.u32 $0x3FFFFF80, s25  }
0x5e: {  	p1 =	sgt.s32 s0, $0xEF;
	s29 =	ssub.s32 $0x3C0, s26;
	_ =	swait.ge [sflag:s10], s2  }
0x5f: {  	s2 =	ssub.s32 $0x0, s2;
	[sflag:s10] =	ssyncset.done $0x0;
	s0 =	sshrl.u32 s29, $0x2  }
0x60: {  	[sflag:s10] =	ssyncadd.s32 s2;
	s0 =	simm.s32 @p1 $0x0  }
0x61: {  	_ =	swait.ge [sflag:s11], s0  }
0x62: {  	s0 =	ssub.s32 $0x0, s0;
	[sflag:s11] =	ssyncset.done $0x0  }
0x63: {  	[sflag:s11] =	ssyncadd.s32 s0  }
0x64: {  	v1 =	vld [tilespmem:$0xF208];
	_ =	sdelay $0x4  }
0x65: {  	(v2sf) =	vpush v1, $0x0  }
0x66: {  	(v2sf) =	vpush v1, $0x1  }
0x67: {  	(v2sf) =	vpush v1, $0x2;
	_ =	sdelay $0x3  }
0x68: {  	s0 =	sadd.s32 $0xF0, s22  }
0x69: {  	s2 =	ssub.s32 $0xC3500, s22;
	p1 =	slt.s32 s8, s0  }
0x6a: {  	s0 =	smov.u32 @p1 s8;
	p1 =	sgt.s32 s2, $0x0  }
0x6b: {  	s26 =	ssub.s32 s0, s22;
	s2 =	simm.s32 @!p1 $0x0  }
0x6c: {  	p1 =	slt.s32 s2, s26  }
0x6d: {  	s26 =	smov.u32 @p1 s2  }
0x6e: {  	s25 =	simm.s32 $0x1;
	p1 =	slt.s32 s26, $0x1  }
.Ltmp4:
0x6f: {  	s25 =	simm.s32 @!p0 $0x0;
	(pc) =	sbr.rel @p1 .LBB2_8-.Ltmp4, $4  }
0x70: {  	s31 =	smul.u32 $0x3C0, s25  }
0x71: {  	s28 =	spop (v2sf)  }
0x72: {  	s0 =	sshrl.u32 s31, $0x2;
	s30 =	spop (v2sf)  }
0x73: {  	s23 =	sadd.s32 $0x10518, s0;
	s22 =	spop (v2sf)  }
0x74: {  	s0 =	smin.u32 s26, $0x10  }
0x75: {  	v1 =	vmov s0  }
0x76: {  	p2 =	sgt.s32 s26, $0x10;
	vm1 =	vgt.u32 v1, v0  }
.Ltmp5:
0x77: {  	_ = 	snop;
	(pc) =	sbr.rel @!p2 .LBB2_7-.Ltmp5, $2  }
0x78: {  	_ =	sdelay $0x2  }
0x79: {  	s4 =	simm.s32 $0x10;
	s24 =	sadd.s32 $0xFFFFFFF0, s26;
	s0 =	smov.u32 s23;
	vm0 =	vmmov vm1  }
.LBB2_6:
0x7a: {  	s2 =	smin.u32 s24, $0x10;
	s4 =	sadd.s32 $0x10, s4;
	v1 =	vld.msk [tilespmem:s0+$0x0 ss:$0x1], vm1  }
0x7b: {  	v2 =	vmov s2;
	p2 =	slt.s32 s4, s26  }
0x7c: {  	vm1 =	vgt.u32 v2, v0  }
.Ltmp6:
0x7d: {  	(pc) =	sbr.rel @p2 .LBB2_6-.Ltmp6, $3  }
0x7e: {  	_ =	sdelay $0x1  }
0x7f: {  	v1 =	vshll.u32 v1, $0x4  }
0x80: {  	s24 =	sadd.s32 $0xFFFFFFF0, s24;
	[tilespmem:s0+$0x0] =	vst.msk vm0, v1;
	s0 =	sadd.s32 $0x10, s0;
	vm0 =	vmmov vm1  }
.LBB2_7:
0x81: {  	_ =	sdelay $0x4  }
0x82: {  	v1 =	vld.msk [tilespmem:s0+$0x0 ss:$0x1], vm1;
	_ =	sdelay $0x4  }
0x83: {  	v1 =	vshll.u32 v1, $0x4  }
0x84: {  	[tilespmem:s0+$0x0] =	vst.msk vm0, v1  }
.LBB2_8:
0x85: {  	s0 =	sand.u32 $0x1, s21  }
0x86: {  	s0 =	smul.u32 $0xF0, s0  }
0x87: {  	p2 =	sne.s32 s30, $0xFFFFFFFF  }
0x88: {  	v1 =	vld.msk @!p2 [tilespmem:s0+$0x10518], $0x1;
	_ =	sdelay $0x4  }
0x89: {  	(v2sf) =	vpush @!p2 v1, $0x0;
	_ =	sdelay $0xc  }
.Ltmp7:
0x8a: {  	_ = 	snop;
	(pc) =	sbr.rel @p1 .LBB2_19-.Ltmp7, $4  }
0x8b: {  	_ = 	snop  }
0x8c: {  	s29 =	spop @!p2 (v2sf)  }
0x8d: {  	s22 =	simm.s32 @!p2 $0x0;
	s24 =	smov.u32 s29  }
0x8e: {  	[sflag:s18] =	ssyncpa.u1 $0x0;
	s29 =	smov.u32 @p2 s28;
	s24 =	smov.u32 @p2 s30  }
0x8f: {  	v1 =	vld.msk [tilespmem:s23+$0x0], $0x1;
	_ =	sdelay $0x4  }
0x90: {  	(v2sf) =	vpush v1, $0x0;
	_ =	sdelay $0xe  }
0x91: {  	s2 =	smul.u32 $0x1E000, s25;
	s0 =	spop (v2sf)  }
0x92: {  	s26 =	ssub.s32 $0x0, s26;
	p1 =	seq.s32 s29, s0  }
0x93: {  	s30 =	sadd.s32 $0x1, s26;
	s2 =	sshrl.u32 s2, $0x2;
	p2 =	sgt.s32 @!p1 s29, $0x0  }
0x94: {  	s25 =	sor.u32 $0x10738, s2;
	s2 =	smov.u32 s29;
	p2 =	por !p2, p1  }
0x95: {  	s2 =	simm.s32 @p2 $0x0;
	p2 =	seq.s32 s30, $0x0  }
.Ltmp8:
0x96: {  	_ = 	snop;
	(pc) =	sbr.rel @p2 .LBB2_11-.Ltmp8, $4  }
0x97: {  	_ = 	snop  }
0x98: {  	s28 =	simm.s32 $0x0;
	s31 =	sadd.s32 $0x1, s23;
	s2 =	smin.u32 @!p1 s2, $0xC34F0  }
0x99: {  	s4 =	simm.s32 @!p1 $0x1;
	s5 =	simm.s32 @!p1 $0x7988;
	s3 =	sand.u32 @!p1 $0xFFFF8, s2  }
0x9a: {  	s4 =	smov.u32 @p1 s28;
	s2 =	sand.u32 @!p1 $0x7, s2;
	s3 =	sadd.s32 @!p1 s1, s3  }
.LBB2_10:
0x9b: {  	s9 =	smov.u32 s4  }
0x9c: {  	[tilespmem:s5], [sflag:$0x2] =	stream.linear.gather @!p1 [hbm4b:s3+s2], $0x80, $0x38;
	[tilespmem:$0x1F6F8] =	vst v63  }
0x9d: {  	s30 =	sadd.s32 $0x1, s30;
	s2 =	smov.u32 s0;
	v1 =	vld.msk [tilespmem:s31+$0x0], $0x1  }
0x9e: {  	p2 =	seq.s32 s30, $0x0;
	_ =	sdelay $0x3  }
0x9f: {  	(v2sf) =	vpush v1, $0x0;
	_ =	sdelay $0xe  }
0xa0: {  	s0 =	spop (v2sf)  }
0xa1: {  	p1 =	seq.s32 s2, s0  }
0xa2: {  	p3 =	sgt.s32 @!p1 s2, $0x0;
	s3 =	sshll.u32 @!p1 s4, $0x9;
	s4 =	sadd.s32 @!p1 $0x1, s4  }
.Ltmp9:
0xa3: {  	p3 =	por !p3, p1;
	s3 =	sshra.s32 @!p1 s3, $0x2;
	(pc) =	sbr.rel @!p2 .LBB2_10-.Ltmp9, $4  }
0xa4: {  	s4 =	smov.u32 @p1 s9;
	s2 =	simm.s32 @p3 $0x0;
	s5 =	sadd.s32 @!p1 $0x7988, s3  }
0xa5: {  	s2 =	smin.u32 @!p1 s2, $0xC34F0  }
0xa6: {  	s3 =	sand.u32 @!p1 $0xFFFF8, s2;
	s2 =	sand.u32 @!p1 $0x7, s2  }
0xa7: {  	s31 =	sadd.s32 $0x1, s31;
	s3 =	sadd.s32 @!p1 s1, s3  }
.LBB2_11:
0xa8: {  	[tilespmem:s5], [sflag:$0x2] =	stream.linear.gather @!p1 [hbm4b:s3+s2], $0x80, $0x38;
	[tilespmem:$0x1F6F8] =	vst v63  }
.Ltmp10:
0xa9: {  	s0 =	sshll.u32 s4, $0x7;
	(pc) =	sbr.rel .LBB2_12-.Ltmp10, $4  }
0xaa: {  	s30 =	simm.s32 $0x2;
	s0 =	sand.u32 $0x3FFFFF80, s0  }
0xab: {  	_ =	swait.ge [sflag:s30], s0  }
0xac: {  	s0 =	ssub.s32 $0x0, s0;
	[sflag:s30] =	ssyncset.done $0x0  }
0xad: {  	s31 =	simm.s32 $0x0;
	[sflag:s30] =	ssyncadd.s32 s0  }
.LBB2_13:
0xae: {  	v1 =	vld [tilespmem:s25+$0xFFFFFFC0];
	_ =	sdelay $0x3  }
0xaf: {  	s0 =	sshra.s32 s0, $0x2  }
0xb0: {  	[tilespmem:s0+$0x108] =	vst.add.f32.msk $0xffff, v1  }
0xb1: {  	v1 =	vld [tilespmem:s25+$0xFFFFFFD0];
	_ =	sdelay $0x4  }
0xb2: {  	[tilespmem:s0+$0x118] =	vst.add.f32.msk $0xffff, v1  }
0xb3: {  	v1 =	vld [tilespmem:s25+$0xFFFFFFE0];
	_ =	sdelay $0x4  }
0xb4: {  	[tilespmem:s0+$0x128] =	vst.add.f32.msk $0xffff, v1  }
0xb5: {  	v1 =	vld [tilespmem:s25+$0xFFFFFFF0];
	_ =	sdelay $0x4  }
0xb6: {  	[tilespmem:s0+$0x138] =	vst.add.f32.msk $0xffff, v1  }
0xb7: {  	v1 =	vld [tilespmem:s25+$0x0];
	_ =	sdelay $0x4  }
0xb8: {  	[tilespmem:s0+$0x148] =	vst.add.f32.msk $0xffff, v1  }
0xb9: {  	v1 =	vld [tilespmem:s25+$0x10];
	_ =	sdelay $0x4  }
0xba: {  	[tilespmem:s0+$0x158] =	vst.add.f32.msk $0xffff, v1  }
0xbb: {  	v1 =	vld [tilespmem:s25+$0x20];
	_ =	sdelay $0x4  }
0xbc: {  	[tilespmem:s0+$0x168] =	vst.add.f32.msk $0xffff, v1  }
0xbd: {  	v1 =	vld [tilespmem:s25+$0x30];
	_ =	sdelay $0x4  }
0xbe: {  	[tilespmem:s0+$0x178] =	vst.add.f32.msk $0xffff, v1  }
.LBB2_17:
0xbf: {  	s26 =	sadd.s32 $0x1, s26  }
0xc0: {  	p1 =	seq.s32 s26, $0x0  }
.Ltmp11:
0xc1: {  	_ = 	snop;
	(pc) =	sbr.rel @p1 .LBB2_18-.Ltmp11, $2  }
0xc2: {  	_ =	sdelay $0x2  }
0xc3: {  	s23 =	sadd.s32 $0x1, s23;
	s25 =	sadd.s32 $0x80, s25;
	s29 =	smov.u32 s30  }
.LBB2_12:
0xc4: {  	v1 =	vld.msk [tilespmem:s23+$0x0], $0x1;
	_ =	sdelay $0x4  }
0xc5: {  	(v2sf) =	vpush v1, $0x0;
	_ =	sdelay $0xe  }
0xc6: {  	s30 =	spop (v2sf)  }
0xc7: {  	p1 =	sne.s32 s29, s30  }
.Ltmp12:
0xc8: {  	_ = 	snop;
	(pc) =	sbr.rel @!p1 .LBB2_13-.Ltmp12, $2  }
0xc9: {  	_ =	sdelay $0x2  }
0xca: {  	s0 =	sshll.u32 s22, $0x9  }
0xcb: {  	p1 =	seq.s32 s29, s24  }
.Ltmp13:
0xcc: {  	_ = 	snop;
	(pc) =	sbr.rel @!p1 .LBB2_15-.Ltmp13, $1  }
0xcd: {  	_ =	sdelay $0x3  }
0xce: {  	s0 =	sshra.s32 s0, $0x2  }
.Ltmp14:
0xcf: {  	s0 =	sadd.s32 $0x108, s0;
	(pc) =	sbr.rel .LBB2_16-.Ltmp14, $4  }
0xd0: {  	[spmem:s16] =	stream.linear.scatter [tilespmem:s0], [sflag:$0x1], $0x80, $0x38;
	[tilespmem:$0x1F6F8] =	vst v63  }
0xd1: {  	_ =	swait.ge [sflag:s12], $0x80  }
0xd2: {  	[sflag:s12] =	ssyncset.done $0x0  }
0xd3: {  	[sflag:s12] =	ssyncadd.s32 $0xFFFFFF80  }
.LBB2_15:
0xd4: {  	s2 =	sshll.u32 s28, $0x9  }
0xd5: {  	s2 =	sshra.s32 s2, $0x2  }
0xd6: {  	v1 =	vld [tilespmem:s2+$0x7988];
	_ =	sdelay $0x3  }
0xd7: {  	s0 =	sshra.s32 s0, $0x2  }
0xd8: {  	[tilespmem:s0+$0x108] =	vst.add.f32.msk $0xffff, v1  }
0xd9: {  	v1 =	vld [tilespmem:s2+$0x7998];
	_ =	sdelay $0x4  }
0xda: {  	[tilespmem:s0+$0x118] =	vst.add.f32.msk $0xffff, v1  }
0xdb: {  	v1 =	vld [tilespmem:s2+$0x79A8];
	_ =	sdelay $0x4  }
0xdc: {  	[tilespmem:s0+$0x128] =	vst.add.f32.msk $0xffff, v1  }
0xdd: {  	v1 =	vld [tilespmem:s2+$0x79B8];
	_ =	sdelay $0x4  }
0xde: {  	[tilespmem:s0+$0x138] =	vst.add.f32.msk $0xffff, v1  }
0xdf: {  	v1 =	vld [tilespmem:s2+$0x79C8];
	_ =	sdelay $0x4  }
0xe0: {  	[tilespmem:s0+$0x148] =	vst.add.f32.msk $0xffff, v1  }
0xe1: {  	v1 =	vld [tilespmem:s2+$0x79D8];
	_ =	sdelay $0x4  }
0xe2: {  	[tilespmem:s0+$0x158] =	vst.add.f32.msk $0xffff, v1  }
0xe3: {  	v1 =	vld [tilespmem:s2+$0x79E8];
	_ =	sdelay $0x4  }
0xe4: {  	[tilespmem:s0+$0x168] =	vst.add.f32.msk $0xffff, v1  }
0xe5: {  	v1 =	vld [tilespmem:s2+$0x79F8];
	_ =	sdelay $0x2  }
0xe6: {  	p1 =	sgt.u32 s29, $0xC34F0  }
0xe7: {  	s2 =	sand.u32 @!p1 $0xFFFF8, s29  }
0xe8: {  	s3 =	sadd.s32 $0x108, s0;
	[tilespmem:s0+$0x178] =	vst.add.f32.msk $0xffff, v1;
	s0 =	sadd.s32 @!p1 s1, s2;
	s2 =	sand.u32 @!p1 $0x7, s29  }
0xe9: {  	[hbm4b:s0+s2] =	stream.linear.scatter @!p1 [tilespmem:s3], [sflag:$0xC], $0x80, $0x38;
	[tilespmem:$0x1F6F8] =	vst v63  }
0xea: {  	s0 =	simm.s32 $0x0  }
0xeb: {  	s0 =	simm.s32 @!p1 $0x200  }
0xec: {  	s31 =	sadd.s32 s0, s31  }
.LBB2_16:
0xed: {  	s0 =	sadd.s32 $0x1, s22  }
0xee: {  	s2 =	smulhi.u32 $0x88888889, s0;
	_ =	sdelay $0x1  }
0xef: {  	v1 =	vld [tilespmem:s25+$0xFFFFFFC0];
	s2 =	sshrl.u32 s2, $0x7  }
0xf0: {  	s2 =	smul.u32 $0xF0, s2;
	_ =	sdelay $0x1  }
0xf1: {  	s22 =	ssub.s32 s0, s2  }
0xf2: {  	s0 =	sshll.u32 s22, $0x7  }
0xf3: {  	[tilespmem:s0+$0x108] =	vst v1  }
0xf4: {  	v1 =	vld [tilespmem:s25+$0xFFFFFFD0];
	_ =	sdelay $0x4  }
0xf5: {  	[tilespmem:s0+$0x118] =	vst v1  }
0xf6: {  	v1 =	vld [tilespmem:s25+$0xFFFFFFE0];
	_ =	sdelay $0x4  }
0xf7: {  	[tilespmem:s0+$0x128] =	vst v1  }
0xf8: {  	v1 =	vld [tilespmem:s25+$0xFFFFFFF0];
	_ =	sdelay $0x4  }
0xf9: {  	[tilespmem:s0+$0x138] =	vst v1  }
0xfa: {  	v1 =	vld [tilespmem:s25+$0x0];
	_ =	sdelay $0x4  }
0xfb: {  	[tilespmem:s0+$0x148] =	vst v1  }
0xfc: {  	v1 =	vld [tilespmem:s25+$0x10];
	_ =	sdelay $0x4  }
0xfd: {  	[tilespmem:s0+$0x158] =	vst v1  }
0xfe: {  	v1 =	vld [tilespmem:s25+$0x20];
	_ =	sdelay $0x4  }
0xff: {  	[tilespmem:s0+$0x168] =	vst v1  }
0x100: {  	v1 =	vld [tilespmem:s25+$0x30]  }
.Ltmp15:
0x101: {  	_ = 	snop;
	(pc) =	sbr.rel .LBB2_17-.Ltmp15, $2  }
0x102: {  	_ =	sdelay $0x2  }
0x103: {  	s28 =	sadd.s32 $0x1, s28;
	[tilespmem:s0+$0x178] =	vst v1  }
.LBB2_19:
.Ltmp16:
0x104: {  	(pc) =	sbr.rel .LBB2_20-.Ltmp16, $4  }
0x105: {  	_ = 	snop  }
0x106: {  	s0 =	simm.s32 $0x2  }
0x107: {  	_ =	swait.ge [sflag:s0], $0x0  }
0x108: {  	s30 =	smov.u32 s29;
	[sflag:s0] =	ssyncset.done $0x0;
	s0 =	simm.s32 $0x0  }
.LBB2_22:
0x109: {  	_ =	sfence.sel $0x180000  }
0x10a: {  	s0 =	simm.s32 $0x9;
	[bflag:$0x0] =	sbarrier.arrive $0xFFFF  }
0x10b: {  	s24 =	simm.s32 $0xA;
	[sflag:s0] =	ssyncpa.u1 $0x1  }
0x10c: {  	s25 =	simm.s32 $0xB;
	[sflag:s24] =	ssyncpa.u1 $0x1  }
0x10d: {  	s26 =	simm.s32 $0x2;
	[sflag:s25] =	ssyncpa.u1 $0x1  }
0x10e: {  	[sflag:s26] =	ssyncpa.u1 $0x1  }
0x10f: {  	v0 =	vld [tilespmem:$0xF208];
	_ =	sdelay $0x4  }
0x110: {  	(v2sf) =	vpush v0, $0x0  }
0x111: {  	(v2sf) =	vpush v0, $0x1;
	_ =	sdelay $0x1  }
0x112: {  	(v2sf) =	vpush v0, $0x2;
	_ =	sdelay $0xb  }
0x113: {  	s0 =	spop (v2sf)  }
0x114: {  	s2 =	spop (v2sf)  }
0x115: {  	s3 =	smov.u32 s0;
	p0 =	sne.s32 s0, s2  }
0x116: {  	s4 =	spop (v2sf);
	s3 =	simm.s32 @!p0 $0xFFFFFFFF  }
0x117: {  	v2 =	vimm.s32 $0x1;
	v3 =	vlaneseq.u32;
	p0 =	seq.s32 s4, $0xFFFFFFFF;
	v1 =	vmov s3  }
0x118: {  	s16 =	stileid.u32;
	v0 =	vperm.xlane v0, v2;
	p1 =	sne.s32 @!p0 s0, s2;
	v1 =	vperm.xlane v1, v3  }
0x119: {  	vm0 =	vcmask $0x3F04;
	s6 =	simm.s32 $0xF208;
	s0 =	simm.s32 @!p0 $0x1;
	p1 =	por !p1, p0  }
0x11a: {  	s3 =	sshll.u32 s16, $0x1;
	s2 =	sshll.u32 @!p0 s4, $0x9;
	s0 =	simm.s32 @p1 $0x0;
	v0 =	vsel vm0, v1, v0  }
0x11b: {  	s5 =	sor.u32 $0x1000, s3;
	s2 =	sshra.s32 @!p0 s2, $0x2;
	s0 =	sor.u32 @!p0 s0, s3;
	[tilespmem:$0xF208] =	vst v0  }
0x11c: {  	[spmem:s5] =	stream.linear.scatter [tilespmem:s6], [sflag:$0x1], $0x2, $0x38;
	[tilespmem:$0x1F6F8] =	vst v63  }
0x11d: {  	s2 =	sadd.s32 @!p0 $0x108, s2;
	s0 =	sshll.u32 @!p0 s0, $0x7  }
0x11e: {  	[spmem:s0] =	stream.linear.scatter @!p0 [tilespmem:s2], [sflag:$0x1], $0x80, $0x38;
	[tilespmem:$0x1F6F8] =	vst v63  }
0x11f: {  	s0 =	simm.s32 @!p0 $0x82  }
0x120: {  	s28 =	simm.s32 $0x1;
	s0 =	simm.s32 @p0 $0x2  }
0x121: {  	_ =	swait.ge [sflag:s28], s0  }
0x122: {  	s0 =	ssub.s32 $0x0, s0;
	[sflag:s28] =	ssyncset.done $0x0  }
0x123: {  	p0 =	sne.s32 s16, $0x0;
	[sflag:s28] =	ssyncadd.s32 s0  }
.Ltmp17:
0x124: {  	_ =	sfence.stream.spmem;
	(pc) =	sbr.rel @p0 .LBB2_39-.Ltmp17, $4  }
0x125: {  	s29 =	simm.s32 $0x3;
	[bflag:$0x0] =	sbarrier.arrive $0xFFFF  }
0x126: {  	s30 =	simm.s32 $0x4;
	[sflag:s29] =	ssyncpa.u1 $0x1  }
0x127: {  	s31 =	simm.s32 $0x3C;
	[sflag:s30] =	ssyncpa.u1 $0x1  }
0x128: {  	s15 =	rddreg [dreg:$0x4];
	[sflag:s31] =	ssyncpa.u1 $0x1  }
0x129: {  	_ =	sfence.stream.spmem;
	s0 =	simm.s32 $0x5  }
0x12a: {  	s2 =	simm.s32 $0x1000;
	s3 =	simm.s32 $0xF218;
	[sflag:s0] =	ssyncpa.u1 $0x0  }
0x12b: {  	[tilespmem:s3], [sflag:$0x5] =	stream.linear.gather [spmem:s2], $0x20, $0x38;
	[tilespmem:$0x1F6F8] =	vst v63  }
0x12c: {  	s26 =	simm.s32 $0x0;
	s28 =	simm.s32 $0xF238  }
0x12d: {  	[tilespmem:s28], [sflag:$0x5] =	stream.linear.gather [spmem:s26], $0x1000, $0x38;
	[tilespmem:$0x1F6F8] =	vst v63  }
0x12e: {  	_ =	swait.ge [sflag:s0], $0x1020  }
0x12f: {  	[sflag:s0] =	ssyncset.done $0x0  }
0x130: {  	s29 =	simm.s32 $0x0;
	[sflag:s0] =	ssyncadd.s32 $0xFFFFEFE0  }
0x131: {  	v0 =	vld.msk [tilespmem:s29+$0xF218], $0x1;
	_ =	sdelay $0x1  }
0x132: {  	s30 =	simm.s32 $0x1  }
0x133: {  	v1 =	vld.msk [tilespmem:s30+$0xF218], $0x1;
	_ =	sdelay $0x1  }
0x134: {  	(v2sf) =	vpush v0, $0x0;
	_ =	sdelay $0x2  }
0x135: {  	(v2sf) =	vpush v1, $0x0;
	_ =	sdelay $0x2  }
0x136: {  	s31 =	simm.s32 $0x2  }
0x137: {  	v0 =	vld.msk [tilespmem:s31+$0xF218], $0x1;
	_ =	sdelay $0x2  }
0x138: {  	s4 =	simm.s32 $0xFFFFFFFF;
	s5 =	simm.s32 $0xFFFFFFFF;
	s0 =	simm.s32 $0xC  }
.LBB2_24:
0x139: {  	s2 =	smov.u32 s5;
	s3 =	smov.u32 s4  }
0x13a: {  	s4 =	sshra.s32 s0, $0x2;
	p1 =	sne.s32 s0, $0x7C;
	s0 =	sadd.s32 $0x4, s0;
	(v2sf) =	vpush v0, $0x0  }
0x13b: {  	v0 =	vld.msk [tilespmem:s4+$0xF218], $0x1  }
.Ltmp18:
0x13c: {  	(pc) =	sbr.rel @p1 .LBB2_24-.Ltmp18, $4  }
0x13d: {  	s5 =	spop (v2sf)  }
0x13e: {  	p2 =	sne.s32 s3, $0xFFFFFFFF;
	s4 =	smov.u32 s5  }
0x13f: {  	p3 =	seq.s32 s5, $0xFFFFFFFF;
	s4 =	smov.u32 @p2 s3  }
0x140: {  	s5 =	smov.u32 @p3 s2;
	s4 =	smov.u32 @p3 s3  }
0x141: {  	(v2sf) =	vpush v0, $0x0;
	_ =	sdelay $0x8  }
0x142: {  	s0 =	spop (v2sf)  }
0x143: {  	p1 =	sne.s32 s4, $0xFFFFFFFF;
	s2 =	smov.u32 s0  }
0x144: {  	s9 =	simm.s32 $0x6;
	p2 =	seq.s32 s0, $0xFFFFFFFF;
	s2 =	smov.u32 @p1 s4  }
0x145: {  	s6 =	simm.s32 $0x0;
	s2 =	smov.u32 @p2 s4;
	s3 =	spop (v2sf)  }
0x146: {  	s0 =	smov.u32 @p2 s5;
	p1 =	sne.s32 s2, $0xFFFFFFFF;
	s4 =	smov.u32 s3  }
.Ltmp19:
0x147: {  	p2 =	seq.s32 s3, $0xFFFFFFFF;
	s4 =	smov.u32 @p1 s2;
	(pc) =	sbr.rel .LBB2_26-.Ltmp19, $4  }
0x148: {  	s10 =	simm.s32 $0xF188;
	s4 =	smov.u32 @p2 s2;
	s7 =	spop (v2sf)  }
0x149: {  	s11 =	simm.s32 $0x0;
	p1 =	sne.s32 s4, $0xFFFFFFFF;
	s8 =	smov.u32 s7  }
0x14a: {  	s3 =	smov.u32 @p2 s0;
	p2 =	seq.s32 s7, $0xFFFFFFFF;
	s8 =	smov.u32 @p1 s4  }
0x14b: {  	[sflag:s9] =	ssyncpa.u1 $0x0;
	s7 =	smov.u32 @p2 s3;
	s8 =	smov.u32 @p2 s4  }
.LBB2_32:
0x14c: {  	p1 =	sgt.u32 s12, $0xC34F0  }
0x14d: {  	p2 =	seq.s32 @!p1 s12, s8  }
0x14e: {  	p1 =	por p1, p2  }
0x14f: {  	p2 =	sne.s32 @!p1 s12, s7  }
0x150: {  	p1 =	por p1, !p2  }
0x151: {  	s0 =	sshll.u32 @p1 s11, $0x9  }
0x152: {  	s0 =	sand.u32 @!p1 $0xFFFF8, s12  }
0x153: {  	s2 =	sand.u32 @!p1 $0x7, s12;
	s0 =	sadd.s32 @!p1 s1, s0  }
0x154: {  	[tilespmem:s10], [sflag:$0x6] =	stream.linear.gather @!p1 [hbm4b:s0+s2], $0x80, $0x38;
	[tilespmem:$0x1F6F8] =	vst v63  }
0x155: {  	_ =	swait.ge @!p1 [sflag:s9], $0x80  }
0x156: {  	[sflag:s9] =	ssyncset.done @!p1 $0x0  }
0x157: {  	[sflag:s9] =	ssyncadd.s32 @!p1 $0xFFFFFF80  }
0x158: {  	v1 =	vld @!p1 [tilespmem:$0xF188];
	_ =	sdelay $0x2  }
0x159: {  	s0 =	sshll.u32 @!p1 s11, $0x9  }
0x15a: {  	s2 =	sshrl.u32 @!p1 s0, $0x2  }
0x15b: {  	[tilespmem:s2+$0xF238] =	vst.add.f32.msk @!p1 $0xffff, v1  }
0x15c: {  	v1 =	vld @!p1 [tilespmem:$0xF198];
	_ =	sdelay $0x4  }
0x15d: {  	[tilespmem:s2+$0xF248] =	vst.add.f32.msk @!p1 $0xffff, v1  }
0x15e: {  	v1 =	vld @!p1 [tilespmem:$0xF1A8];
	_ =	sdelay $0x4  }
0x15f: {  	[tilespmem:s2+$0xF258] =	vst.add.f32.msk @!p1 $0xffff, v1  }
0x160: {  	v1 =	vld @!p1 [tilespmem:$0xF1B8];
	_ =	sdelay $0x4  }
0x161: {  	[tilespmem:s2+$0xF268] =	vst.add.f32.msk @!p1 $0xffff, v1  }
0x162: {  	v1 =	vld @!p1 [tilespmem:$0xF1C8];
	_ =	sdelay $0x4  }
0x163: {  	[tilespmem:s2+$0xF278] =	vst.add.f32.msk @!p1 $0xffff, v1  }
0x164: {  	v1 =	vld @!p1 [tilespmem:$0xF1D8];
	_ =	sdelay $0x4  }
0x165: {  	[tilespmem:s2+$0xF288] =	vst.add.f32.msk @!p1 $0xffff, v1  }
0x166: {  	v1 =	vld @!p1 [tilespmem:$0xF1E8];
	_ =	sdelay $0x4  }
0x167: {  	[tilespmem:s2+$0xF298] =	vst.add.f32.msk @!p1 $0xffff, v1  }
0x168: {  	v1 =	vld @!p1 [tilespmem:$0xF1F8];
	_ =	sdelay $0x4  }
0x169: {  	[tilespmem:s2+$0xF2A8] =	vst.add.f32.msk @!p1 $0xffff, v1  }
0x16a: {  	s0 =	sshrl.u32 s0, $0x2;
	[tilespmem:s6+$0xF218] =	vst.msk $0x1, v0  }
0x16b: {  	v0 =	vld [tilespmem:s0+$0xF238];
	_ =	sdelay $0x2  }
0x16c: {  	s31 =	sshll.u32 s6, $0x9  }
0x16d: {  	s2 =	sshra.s32 s31, $0x2  }
0x16e: {  	[tilespmem:s2+$0xF238] =	vst v0  }
0x16f: {  	v0 =	vld [tilespmem:s0+$0xF248];
	_ =	sdelay $0x4  }
0x170: {  	[tilespmem:s2+$0xF248] =	vst v0  }
0x171: {  	v0 =	vld [tilespmem:s0+$0xF258];
	_ =	sdelay $0x4  }
0x172: {  	[tilespmem:s2+$0xF258] =	vst v0  }
0x173: {  	v0 =	vld [tilespmem:s0+$0xF268];
	_ =	sdelay $0x4  }
0x174: {  	[tilespmem:s2+$0xF268] =	vst v0  }
0x175: {  	v0 =	vld [tilespmem:s0+$0xF278];
	_ =	sdelay $0x4  }
0x176: {  	[tilespmem:s2+$0xF278] =	vst v0  }
0x177: {  	v0 =	vld [tilespmem:s0+$0xF288];
	_ =	sdelay $0x4  }
0x178: {  	[tilespmem:s2+$0xF288] =	vst v0  }
0x179: {  	v0 =	vld [tilespmem:s0+$0xF298];
	_ =	sdelay $0x4  }
0x17a: {  	[tilespmem:s2+$0xF298] =	vst v0  }
0x17b: {  	v0 =	vld [tilespmem:s0+$0xF2A8];
	_ =	sdelay $0x4  }
0x17c: {  	s6 =	sadd.s32 $0x1, s6;
	[tilespmem:s2+$0xF2A8] =	vst v0  }
.LBB2_33:
0x17d: {  	s11 =	sadd.s32 $0x1, s11  }
0x17e: {  	p1 =	sne.s32 s11, $0x20  }
.Ltmp20:
0x17f: {  	_ = 	snop;
	(pc) =	sbr.rel @!p1 .LBB2_34-.Ltmp20, $1  }
0x180: {  	_ =	sdelay $0x3  }
.LBB2_26:
0x181: {  	v0 =	vld.msk [tilespmem:s11+$0xF218], $0x1;
	_ =	sdelay $0x4  }
0x182: {  	(v2sf) =	vpush v0, $0x0;
	_ =	sdelay $0xe  }
0x183: {  	s12 =	spop (v2sf)  }
0x184: {  	p1 =	seq.s32 s12, $0xFFFFFFFF  }
.Ltmp21:
0x185: {  	_ = 	snop;
	(pc) =	sbr.rel @p1 .LBB2_33-.Ltmp21, $1  }
0x186: {  	_ =	sdelay $0x3  }
0x187: {  	p1 =	slt.s32 s6, $0x1  }
.Ltmp22:
0x188: {  	_ = 	snop;
	(pc) =	sbr.rel @p1 .LBB2_32-.Ltmp22, $1  }
0x189: {  	_ =	sdelay $0x3  }
0x18a: {  	s13 =	simm.s32 $0xF218;
	p1 =	por $0x0, $0x0  }
0x18b: {  	v1 =	vld.msk @!p1 [tilespmem:s13+$0x0], $0x1;
	_ =	sdelay $0x4  }
0x18c: {  	(v2sf) =	vpush @!p1 v1, $0x0;
	_ =	sdelay $0xd  }
0x18d: {  	p3 =	sne.s32 s6, $0x1  }
.Ltmp23:
0x18e: {  	s0 =	spop @!p1 (v2sf);
	(pc) =	sbr.rel @!p3 .LBB2_30-.Ltmp23, $4  }
0x18f: {  	p2 =	seq.s32 @!p1 s12, s0  }
0x190: {  	s14 =	simm.s32 $0x0;
	p2 =	por !p2, p1  }
0x191: {  	s2 =	simm.s32 $0xFFFFFFFF;
	s14 =	simm.s32 @p2 $0xFFFFFFFF  }
0x192: {  	s0 =	simm.s32 $0x1;
	s14 =	smov.u32 @p1 s2  }
.LBB2_29:
0x193: {  	s2 =	smov.u32 s14;
	p1 =	sne.s32 s14, $0xFFFFFFFF  }
0x194: {  	s13 =	sadd.s32 $0x1, s13;
	s14 =	smov.u32 s0;
	s0 =	sadd.s32 $0x1, s0  }
0x195: {  	p2 =	sne.s32 s6, s0;
	v1 =	vld.msk @!p1 [tilespmem:s13+$0x0], $0x1;
	_ =	sdelay $0x4  }
0x196: {  	(v2sf) =	vpush @!p1 v1, $0x0;
	_ =	sdelay $0xe  }
.Ltmp24:
0x197: {  	s3 =	spop @!p1 (v2sf);
	(pc) =	sbr.rel @p2 .LBB2_29-.Ltmp24, $4  }
0x198: {  	p3 =	seq.s32 @!p1 s12, s3  }
0x199: {  	p3 =	por !p3, p1  }
0x19a: {  	s14 =	simm.s32 @p3 $0xFFFFFFFF  }
0x19b: {  	s14 =	smov.u32 @p1 s2  }
.LBB2_30:
0x19c: {  	p1 =	seq.s32 s14, $0xFFFFFFFF  }
.Ltmp25:
0x19d: {  	_ = 	snop;
	(pc) =	sbr.rel @p1 .LBB2_32-.Ltmp25, $1  }
0x19e: {  	_ =	sdelay $0x3  }
0x19f: {  	s0 =	sshll.u32 s11, $0x7  }
0x1a0: {  	s0 =	sand.u32 $0x3FFFFF80, s0  }
0x1a1: {  	v0 =	vld [tilespmem:s0+$0xF238];
	_ =	sdelay $0x2  }
0x1a2: {  	s2 =	sshll.u32 s14, $0x9  }
0x1a3: {  	s2 =	sshra.s32 s2, $0x2  }
0x1a4: {  	[tilespmem:s2+$0xF238] =	vst.add.f32.msk $0xffff, v0  }
0x1a5: {  	v0 =	vld [tilespmem:s0+$0xF248];
	_ =	sdelay $0x4  }
0x1a6: {  	[tilespmem:s2+$0xF248] =	vst.add.f32.msk $0xffff, v0  }
0x1a7: {  	v0 =	vld [tilespmem:s0+$0xF258];
	_ =	sdelay $0x4  }
0x1a8: {  	[tilespmem:s2+$0xF258] =	vst.add.f32.msk $0xffff, v0  }
0x1a9: {  	v0 =	vld [tilespmem:s0+$0xF268];
	_ =	sdelay $0x4  }
0x1aa: {  	[tilespmem:s2+$0xF268] =	vst.add.f32.msk $0xffff, v0  }
0x1ab: {  	v0 =	vld [tilespmem:s0+$0xF278];
	_ =	sdelay $0x4  }
0x1ac: {  	[tilespmem:s2+$0xF278] =	vst.add.f32.msk $0xffff, v0  }
0x1ad: {  	v0 =	vld [tilespmem:s0+$0xF288];
	_ =	sdelay $0x4  }
0x1ae: {  	[tilespmem:s2+$0xF288] =	vst.add.f32.msk $0xffff, v0  }
0x1af: {  	v0 =	vld [tilespmem:s0+$0xF298];
	_ =	sdelay $0x4  }
0x1b0: {  	[tilespmem:s2+$0xF298] =	vst.add.f32.msk $0xffff, v0  }
0x1b1: {  	v0 =	vld [tilespmem:s0+$0xF2A8]  }
.Ltmp26:
0x1b2: {  	_ = 	snop;
	(pc) =	sbr.rel .LBB2_33-.Ltmp26, $2  }
0x1b3: {  	_ =	sdelay $0x2  }
0x1b4: {  	[tilespmem:s2+$0xF2A8] =	vst.add.f32.msk $0xffff, v0  }
.LBB2_34:
0x1b5: {  	s0 =	simm.s32 $0x6;
	p1 =	seq.s32 s6, $0x0  }
0x1b6: {  	[sflag:s0] =	ssyncpa.u1 $0x1;
	v0 =	vimm.s32 @p1 $0xFFFFFFFF  }
0x1b7: {  	s9 =	sadd.s32 $0xFFFFFFFF, s6;
	[tilespmem:$0x10238] =	vst @p1 v0  }
0x1b8: {  	v0 =	vld.msk @!p1 [tilespmem:s9+$0xF218], $0x1;
	_ =	sdelay $0x1  }
0x1b9: {  	v1 =	vld.msk @!p1 [tilespmem:$0xF218], $0x1;
	_ =	sdelay $0x2  }
0x1ba: {  	p2 =	seq.s32 @!p1 s9, $0x0;
	v0 =	vbroadcast @!p1 v0, $0x0  }
0x1bb: {  	vm0 =	vmmov @!p1 $0x1;
	p2 =	por !p2, p1  }
0x1bc: {  	v1 =	vnsel @!p1 vm0, $0xFFFFFFFF, v1;
	vm0 =	vcmask @!p1 $0x308;
	v0 =	vpsel !p2, $0xFFFFFFFF, v0  }
0x1bd: {  	p2 =	sne.s32 @!p1 s8, s7;
	v0 =	vsel @!p1 vm0, v1, v0  }
0x1be: {  	s0 =	simm.s32 @!p1 $0xF238;
	s2 =	simm.s32 @!p1 $0x0;
	p3 =	por !p2, p1;
	[tilespmem:$0x10238] =	vst @!p1 v0  }
0x1bf: {  	[spmem:s2] =	stream.linear.scatter @!p1 [tilespmem:s0], [sflag:$0x1], $0x80, $0x38;
	[tilespmem:$0x1F6F8] =	vst v63  }
0x1c0: {  	s0 =	sshll.u32 @!p3 s9, $0x9  }
0x1c1: {  	s0 =	sshra.s32 @!p3 s0, $0x2  }
0x1c2: {  	s2 =	simm.s32 @!p3 $0x80;
	s0 =	sadd.s32 @!p3 $0xF238, s0  }
0x1c3: {  	[spmem:s2] =	stream.linear.scatter @!p3 [tilespmem:s0], [sflag:$0x1], $0x80, $0x38;
	[tilespmem:$0x1F6F8] =	vst v63  }
0x1c4: {  	s0 =	simm.s32 @!p3 $0x1  }
0x1c5: {  	_ =	swait.ge @!p3 [sflag:s0], $0x100  }
0x1c6: {  	p1 =	por p2, p1;
	[sflag:s0] =	ssyncset.done @!p3 $0x0  }
0x1c7: {  	[sflag:s0] =	ssyncadd.s32 @!p3 $0xFFFFFF00;
	s0 =	simm.s32 @!p1 $0x1  }
0x1c8: {  	_ =	swait.ge @!p1 [sflag:s0], $0x80  }
0x1c9: {  	s29 =	simm.s32 $0x10238;
	[sflag:s0] =	ssyncset.done @!p1 $0x0  }
0x1ca: {  	s30 =	simm.s32 $0x1000;
	s31 =	simm.s32 $0x1;
	[sflag:s0] =	ssyncadd.s32 @!p1 $0xFFFFFF80  }
0x1cb: {  	[spmem:s30] =	stream.linear.scatter [tilespmem:s29], [sflag:$0x1], $0x10, $0x38;
	[tilespmem:$0x1F6F8] =	vst v63  }
0x1cc: {  	_ =	swait.ge [sflag:s31], $0x10  }
0x1cd: {  	[sflag:s31] =	ssyncset.done $0x0  }
0x1ce: {  	p1 =	seq.s32 s15, $0x0;
	s8 =	rddreg [dreg:$0x1];
	[sflag:s31] =	ssyncadd.s32 $0xFFFFFFF0  }
0x1cf: {  	s2 =	sshll.u32 @p1 s8, $0xE;
	s7 =	rddreg [dreg:$0x2]  }
0x1d0: {  	s0 =	sadd.s32 @p1 $0x15C3C, s2;
	s2 =	sshll.u32 @p1 s7, $0x11  }
0x1d1: {  	_ =	sfence.stream.spmem;
	s0 =	sor.u32 @p1 s2, s0  }
0x1d2: {  	[sflag:s0] =	ssyncadd.remote.s32 @p1 $0x1;
	s0 =	simm.s32 @p1 $0x4  }
0x1d3: {  	s3 =	simm.s32 @!p1 $0x3C;
	s2 =	sand.u32 $0xFFFFFFFE, s8;
	_ =	swait.ge @p1 [sflag:s0], $0x22  }
0x1d4: {  	s4 =	simm.s32 @!p1 $0x0;
	s2 =	sadd.s32 @!p1 $0x4, s2;
	[sflag:s0] =	ssyncset.done @p1 $0x0  }
0x1d5: {  	s5 =	simm.s32 @!p1 $0x100;
	[sflag:s0] =	ssyncadd.s32 @p1 $0xFFFFFFDE;
	s0 =	sshll.u32 @!p1 s2, $0x1A  }
0x1d6: {  	s2 =	sshll.u32 @!p1 s2, $0xD;
	s0 =	sor.u32 @!p1 s0, s7;
	_ =	swait.eq @!p1 [sflag:s3], $0x1  }
0x1d7: {  	s2 =	sor.u32 @!p1 $0x1C04, s2;
	s3 =	simm.s32 @!p1 $0x1C03;
	s0 =	sor.u32 @!p1 $0x80004000, s0  }
0x1d8: {  	[spmem:s5], [sflag:s2] =	dma.general @!p1 [spmem:s4], [sflag:s3], length:$0x20, [dreg:$0x0], stride_count:$0x0, ici_dest:s0, dma_misc:DstOpCode:WRITE  }
0x1d9: {  	p2 =	slt.s32 s9, $0x2;
	s4 =	simm.s32 @!p1 $0x200;
	s5 =	simm.s32 @!p1 $0x202  }
0x1da: {  	[spmem:s5], [sflag:s2] =	dma.general @!p1 [spmem:s4], [sflag:s3], length:$0x2, [dreg:$0x0], stride_count:$0x0, ici_dest:s0, dma_misc:DstOpCode:WRITE  }
.Ltmp27:
0x1db: {  	s0 =	simm.s32 @!p1 $0x3;
	(pc) =	sbr.rel @p2 .LBB2_38-.Ltmp27, $4  }
0x1dc: {  	s2 =	sshll.u32 @!p1 s8, $0xE;
	_ =	swait.ge @!p1 [sflag:s0], $0x22  }
0x1dd: {  	s3 =	sshll.u32 @!p1 s7, $0x11;
	s2 =	sadd.s32 @!p1 $0x11C3C, s2;
	[sflag:s0] =	ssyncset.done @!p1 $0x0  }
0x1de: {  	[sflag:s0] =	ssyncadd.s32 @!p1 $0xFFFFFFDE;
	s0 =	sor.u32 @!p1 s3, s2  }
0x1df: {  	[sflag:s0] =	ssyncadd.remote.s32 @!p1 $0xFFFFFFFF;
	s0 =	simm.s32 $0x0  }
0x1e0: {  	s0 =	simm.s32 $0xF219  }
0x1e1: {  	v0 =	vld.msk [tilespmem:s0+$0x0], $0x1;
	_ =	sdelay $0x4  }
0x1e2: {  	(v2sf) =	vpush v0, $0x0;
	_ =	sdelay $0xb  }
0x1e3: {  	s31 =	sadd.s32 $0xFFFFFFFE, s6  }
0x1e4: {  	s0 =	sadd.s32 $0xFFFFFFFF, s31  }
0x1e5: {  	p2 =	sne.s32 s0, $0x0  }
.Ltmp28:
0x1e6: {  	s2 =	spop (v2sf);
	(pc) =	sbr.rel @!p2 .LBB2_37-.Ltmp28, $4  }
0x1e7: {  	s4 =	simm.s32 $0xF2B8;
	s7 =	simm.s32 $0x0;
	p1 =	sgt.u32 s2, $0xC34F0  }
0x1e8: {  	s5 =	simm.s32 $0x0;
	s6 =	simm.s32 $0xF21A;
	s3 =	sand.u32 @!p1 $0xFFFF8, s2  }
0x1e9: {  	s2 =	sand.u32 @!p1 $0x7, s2;
	s7 =	simm.s32 @!p1 $0x200;
	s3 =	sadd.s32 @!p1 s1, s3  }
0x1ea: {  	[hbm4b:s3+s2] =	stream.linear.scatter @!p1 [tilespmem:s4], [sflag:$0x5], $0x80, $0x38;
	[tilespmem:$0x1F6F8] =	vst v63  }
.LBB2_36:
0x1eb: {  	v0 =	vld.msk [tilespmem:s6+$0x0], $0x1;
	s0 =	sadd.s32 $0xFFFFFFFF, s0;
	s5 =	sadd.s32 s5, s7  }
0x1ec: {  	p1 =	sne.s32 s0, $0x0;
	_ =	sdelay $0x3  }
0x1ed: {  	(v2sf) =	vpush v0, $0x0;
	_ =	sdelay $0xe  }
.Ltmp29:
0x1ee: {  	s2 =	spop (v2sf);
	(pc) =	sbr.rel @p1 .LBB2_36-.Ltmp29, $4  }
0x1ef: {  	s7 =	simm.s32 $0x0;
	p2 =	sgt.u32 s2, $0xC34F0  }
0x1f0: {  	s4 =	sadd.s32 $0x80, s4;
	s7 =	simm.s32 @!p2 $0x200;
	s3 =	sand.u32 @!p2 $0xFFFF8, s2  }
0x1f1: {  	s6 =	sadd.s32 $0x1, s6;
	s2 =	sand.u32 @!p2 $0x7, s2;
	s3 =	sadd.s32 @!p2 s1, s3  }
0x1f2: {  	[hbm4b:s3+s2] =	stream.linear.scatter @!p2 [tilespmem:s4], [sflag:$0x5], $0x80, $0x38;
	[tilespmem:$0x1F6F8] =	vst v63  }
.LBB2_37:
0x1f3: {  	s0 =	sadd.s32 s5, s7  }
0x1f4: {  	s0 =	sshrl.u32 s0, $0x2  }
.LBB2_38:
0x1f5: {  	s2 =	simm.s32 $0x5  }
0x1f6: {  	_ =	swait.ge [sflag:s2], s0  }
0x1f7: {  	s31 =	ssub.s32 $0x0, s0;
	[sflag:s2] =	ssyncset.done $0x0  }
0x1f8: {  	[sflag:s2] =	ssyncadd.s32 s31  }
0x1f9: {  	[sflag:s2] =	ssyncpa.u1 $0x1  }
.LBB2_39:
0x1fa: {  	s0 =	sor.u32 s15, s16  }
0x1fb: {  	p1 =	sne.s32 s0, $0x0  }
.Ltmp30:
0x1fc: {  	_ = 	snop;
	(pc) =	sbr.rel @p1 .LBB2_54-.Ltmp30, $3  }
0x1fd: {  	_ =	sdelay $0x1  }
0x1fe: {  	[bflag:$0x0] =	sbarrier.arrive $0xFFFF  }
0x1ff: {  	_ =	sfence  }
0x200: {  	s0 =	simm.s32 $0x7  }
0x201: {  	s2 =	simm.s32 $0x1000;
	s3 =	simm.s32 $0xF218;
	[sflag:s0] =	ssyncpa.u1 $0x0  }
0x202: {  	[tilespmem:s3], [sflag:$0x7] =	stream.linear.gather [spmem:s2], $0x20, $0x38;
	[tilespmem:$0x1F6F8] =	vst v63  }
0x203: {  	s30 =	simm.s32 $0xF238;
	s2 =	simm.s32 $0x0  }
0x204: {  	[tilespmem:s30], [sflag:$0x7] =	stream.linear.gather [spmem:s2], $0x1000, $0x38;
	[tilespmem:$0x1F6F8] =	vst v63  }
.Ltmp31:
0x205: {  	_ = 	snop;
	(pc) =	sbr.rel .LBB2_41-.Ltmp31, $4  }
0x206: {  	_ =	swait.ge [sflag:s0], $0x1020  }
0x207: {  	[sflag:s0] =	ssyncset.done $0x0  }
0x208: {  	s31 =	simm.s32 $0x8;
	[sflag:s0] =	ssyncadd.s32 $0xFFFFEFE0  }
0x209: {  	s3 =	simm.s32 $0x0;
	[sflag:s31] =	ssyncpa.u1 $0x0  }
.LBB2_47:
0x20a: {  	p1 =	slt.u32 s4, $0xC34F1  }
0x20b: {  	s0 =	sand.u32 @p1 $0xFFFF8, s4  }
0x20c: {  	s4 =	sand.u32 @p1 $0x7, s4;
	s5 =	simm.s32 @p1 $0xF188;
	s0 =	sadd.s32 @p1 s1, s0  }
0x20d: {  	[tilespmem:s5], [sflag:$0x8] =	stream.linear.gather @p1 [hbm4b:s0+s4], $0x80, $0x38;
	[tilespmem:$0x1F6F8] =	vst v63  }
0x20e: {  	s0 =	simm.s32 @p1 $0x8  }
0x20f: {  	_ =	swait.ge @p1 [sflag:s0], $0x80  }
0x210: {  	[sflag:s0] =	ssyncset.done @p1 $0x0  }
0x211: {  	[sflag:s0] =	ssyncadd.s32 @p1 $0xFFFFFF80  }
0x212: {  	v1 =	vld @p1 [tilespmem:$0xF188];
	_ =	sdelay $0x2  }
0x213: {  	s0 =	sshll.u32 @p1 s3, $0x9  }
0x214: {  	s4 =	sshrl.u32 @p1 s0, $0x2  }
0x215: {  	[tilespmem:s4+$0xF238] =	vst.add.f32.msk @p1 $0xffff, v1  }
0x216: {  	v1 =	vld @p1 [tilespmem:$0xF198];
	_ =	sdelay $0x4  }
0x217: {  	[tilespmem:s4+$0xF248] =	vst.add.f32.msk @p1 $0xffff, v1  }
0x218: {  	v1 =	vld @p1 [tilespmem:$0xF1A8];
	_ =	sdelay $0x4  }
0x219: {  	[tilespmem:s4+$0xF258] =	vst.add.f32.msk @p1 $0xffff, v1  }
0x21a: {  	v1 =	vld @p1 [tilespmem:$0xF1B8];
	_ =	sdelay $0x4  }
0x21b: {  	[tilespmem:s4+$0xF268] =	vst.add.f32.msk @p1 $0xffff, v1  }
0x21c: {  	v1 =	vld @p1 [tilespmem:$0xF1C8];
	_ =	sdelay $0x4  }
0x21d: {  	[tilespmem:s4+$0xF278] =	vst.add.f32.msk @p1 $0xffff, v1  }
0x21e: {  	v1 =	vld @p1 [tilespmem:$0xF1D8];
	_ =	sdelay $0x4  }
0x21f: {  	[tilespmem:s4+$0xF288] =	vst.add.f32.msk @p1 $0xffff, v1  }
0x220: {  	v1 =	vld @p1 [tilespmem:$0xF1E8];
	_ =	sdelay $0x4  }
0x221: {  	[tilespmem:s4+$0xF298] =	vst.add.f32.msk @p1 $0xffff, v1  }
0x222: {  	v1 =	vld @p1 [tilespmem:$0xF1F8];
	_ =	sdelay $0x3  }
0x223: {  	s5 =	sshll.u32 @!p1 s3, $0x9  }
0x224: {  	s5 =	smov.u32 @p1 s0;
	[tilespmem:s4+$0xF2A8] =	vst.add.f32.msk @p1 $0xffff, v1  }
0x225: {  	s0 =	sshrl.u32 s5, $0x2;
	[tilespmem:s2+$0xF218] =	vst.msk $0x1, v0  }
0x226: {  	v0 =	vld [tilespmem:s0+$0xF238];
	_ =	sdelay $0x2  }
0x227: {  	s31 =	sshll.u32 s2, $0x9  }
0x228: {  	s4 =	sshra.s32 s31, $0x2  }
0x229: {  	[tilespmem:s4+$0xF238] =	vst v0  }
0x22a: {  	v0 =	vld [tilespmem:s0+$0xF248];
	_ =	sdelay $0x4  }
0x22b: {  	[tilespmem:s4+$0xF248] =	vst v0  }
0x22c: {  	v0 =	vld [tilespmem:s0+$0xF258];
	_ =	sdelay $0x4  }
0x22d: {  	[tilespmem:s4+$0xF258] =	vst v0  }
0x22e: {  	v0 =	vld [tilespmem:s0+$0xF268];
	_ =	sdelay $0x4  }
0x22f: {  	[tilespmem:s4+$0xF268] =	vst v0  }
0x230: {  	v0 =	vld [tilespmem:s0+$0xF278];
	_ =	sdelay $0x4  }
0x231: {  	[tilespmem:s4+$0xF278] =	vst v0  }
0x232: {  	v0 =	vld [tilespmem:s0+$0xF288];
	_ =	sdelay $0x4  }
0x233: {  	[tilespmem:s4+$0xF288] =	vst v0  }
0x234: {  	v0 =	vld [tilespmem:s0+$0xF298];
	_ =	sdelay $0x4  }
0x235: {  	[tilespmem:s4+$0xF298] =	vst v0  }
0x236: {  	v0 =	vld [tilespmem:s0+$0xF2A8];
	_ =	sdelay $0x4  }
0x237: {  	s2 =	sadd.s32 $0x1, s2;
	[tilespmem:s4+$0xF2A8] =	vst v0  }
.LBB2_48:
0x238: {  	s3 =	sadd.s32 $0x1, s3  }
0x239: {  	p1 =	sne.s32 s3, $0x20  }
.Ltmp32:
0x23a: {  	_ = 	snop;
	(pc) =	sbr.rel @!p1 .LBB2_49-.Ltmp32, $1  }
0x23b: {  	_ =	sdelay $0x3  }
.LBB2_41:
0x23c: {  	v0 =	vld.msk [tilespmem:s3+$0xF218], $0x1;
	_ =	sdelay $0x4  }
0x23d: {  	(v2sf) =	vpush v0, $0x0;
	_ =	sdelay $0xe  }
0x23e: {  	s4 =	spop (v2sf)  }
0x23f: {  	p1 =	seq.s32 s4, $0xFFFFFFFF  }
.Ltmp33:
0x240: {  	_ = 	snop;
	(pc) =	sbr.rel @p1 .LBB2_48-.Ltmp33, $1  }
0x241: {  	_ =	sdelay $0x3  }
0x242: {  	p1 =	slt.s32 s2, $0x1  }
.Ltmp34:
0x243: {  	_ = 	snop;
	(pc) =	sbr.rel @p1 .LBB2_47-.Ltmp34, $1  }
0x244: {  	_ =	sdelay $0x3  }
0x245: {  	s5 =	simm.s32 $0xF218;
	p1 =	por $0x0, $0x0  }
0x246: {  	v1 =	vld.msk @!p1 [tilespmem:s5+$0x0], $0x1;
	_ =	sdelay $0x4  }
0x247: {  	(v2sf) =	vpush @!p1 v1, $0x0;
	_ =	sdelay $0xd  }
0x248: {  	p3 =	sne.s32 s2, $0x1  }
.Ltmp35:
0x249: {  	s0 =	spop @!p1 (v2sf);
	(pc) =	sbr.rel @!p3 .LBB2_45-.Ltmp35, $4  }
0x24a: {  	p2 =	seq.s32 @!p1 s4, s0  }
0x24b: {  	s6 =	simm.s32 $0x0;
	p2 =	por !p2, p1  }
0x24c: {  	s7 =	simm.s32 $0xFFFFFFFF;
	s6 =	simm.s32 @p2 $0xFFFFFFFF  }
0x24d: {  	s0 =	simm.s32 $0x1;
	s6 =	smov.u32 @p1 s7  }
.LBB2_44:
0x24e: {  	s7 =	smov.u32 s6;
	p1 =	sne.s32 s6, $0xFFFFFFFF  }
0x24f: {  	s5 =	sadd.s32 $0x1, s5;
	s6 =	smov.u32 s0;
	s0 =	sadd.s32 $0x1, s0  }
0x250: {  	p2 =	sne.s32 s2, s0;
	v1 =	vld.msk @!p1 [tilespmem:s5+$0x0], $0x1;
	_ =	sdelay $0x4  }
0x251: {  	(v2sf) =	vpush @!p1 v1, $0x0;
	_ =	sdelay $0xe  }
.Ltmp36:
0x252: {  	s8 =	spop @!p1 (v2sf);
	(pc) =	sbr.rel @p2 .LBB2_44-.Ltmp36, $4  }
0x253: {  	p3 =	seq.s32 @!p1 s4, s8  }
0x254: {  	p3 =	por !p3, p1  }
0x255: {  	s6 =	simm.s32 @p3 $0xFFFFFFFF  }
0x256: {  	s6 =	smov.u32 @p1 s7  }
.LBB2_45:
0x257: {  	p1 =	seq.s32 s6, $0xFFFFFFFF  }
.Ltmp37:
0x258: {  	_ = 	snop;
	(pc) =	sbr.rel @p1 .LBB2_47-.Ltmp37, $1  }
0x259: {  	_ =	sdelay $0x3  }
0x25a: {  	s0 =	sshll.u32 s3, $0x7  }
0x25b: {  	s0 =	sand.u32 $0x3FFFFF80, s0  }
0x25c: {  	v0 =	vld [tilespmem:s0+$0xF238];
	_ =	sdelay $0x2  }
0x25d: {  	s4 =	sshll.u32 s6, $0x9  }
0x25e: {  	s4 =	sshra.s32 s4, $0x2  }
0x25f: {  	[tilespmem:s4+$0xF238] =	vst.add.f32.msk $0xffff, v0  }
0x260: {  	v0 =	vld [tilespmem:s0+$0xF248];
	_ =	sdelay $0x4  }
0x261: {  	[tilespmem:s4+$0xF248] =	vst.add.f32.msk $0xffff, v0  }
0x262: {  	v0 =	vld [tilespmem:s0+$0xF258];
	_ =	sdelay $0x4  }
0x263: {  	[tilespmem:s4+$0xF258] =	vst.add.f32.msk $0xffff, v0  }
0x264: {  	v0 =	vld [tilespmem:s0+$0xF268];
	_ =	sdelay $0x4  }
0x265: {  	[tilespmem:s4+$0xF268] =	vst.add.f32.msk $0xffff, v0  }
0x266: {  	v0 =	vld [tilespmem:s0+$0xF278];
	_ =	sdelay $0x4  }
0x267: {  	[tilespmem:s4+$0xF278] =	vst.add.f32.msk $0xffff, v0  }
0x268: {  	v0 =	vld [tilespmem:s0+$0xF288];
	_ =	sdelay $0x4  }
0x269: {  	[tilespmem:s4+$0xF288] =	vst.add.f32.msk $0xffff, v0  }
0x26a: {  	v0 =	vld [tilespmem:s0+$0xF298];
	_ =	sdelay $0x4  }
0x26b: {  	[tilespmem:s4+$0xF298] =	vst.add.f32.msk $0xffff, v0  }
0x26c: {  	v0 =	vld [tilespmem:s0+$0xF2A8]  }
.Ltmp38:
0x26d: {  	_ = 	snop;
	(pc) =	sbr.rel .LBB2_48-.Ltmp38, $2  }
0x26e: {  	_ =	sdelay $0x2  }
0x26f: {  	[tilespmem:s4+$0xF2A8] =	vst.add.f32.msk $0xffff, v0  }
.LBB2_49:
0x270: {  	p1 =	slt.s32 s2, $0x1  }
.Ltmp39:
0x271: {  	_ = 	snop;
	(pc) =	sbr.rel @p1 .LBB2_53-.Ltmp39, $3  }
0x272: {  	_ =	sdelay $0x1  }
0x273: {  	s0 =	simm.s32 $0x8  }
0x274: {  	s3 =	simm.s32 $0x0;
	[sflag:s0] =	ssyncpa.u1 $0x1  }
0x275: {  	s0 =	simm.s32 $0xF218  }
0x276: {  	v0 =	vld.msk [tilespmem:s0+$0x0], $0x1;
	_ =	sdelay $0x4  }
0x277: {  	(v2sf) =	vpush v0, $0x0;
	_ =	sdelay $0xe  }
0x278: {  	s0 =	sadd.s32 $0xFFFFFFFF, s2;
	s5 =	spop (v2sf)  }
0x279: {  	p2 =	sne.s32 s0, $0x0;
	p1 =	sgt.u32 s5, $0xC34F0  }
.Ltmp40:
0x27a: {  	s6 =	sand.u32 @!p1 $0xFFFF8, s5;
	(pc) =	sbr.rel @!p2 .LBB2_52-.Ltmp40, $4  }
0x27b: {  	s4 =	simm.s32 $0xF238;
	s5 =	sand.u32 @!p1 $0x7, s5;
	s2 =	sadd.s32 @!p1 s1, s6  }
0x27c: {  	[hbm4b:s2+s5] =	stream.linear.scatter @!p1 [tilespmem:s4], [sflag:$0x7], $0x80, $0x38;
	[tilespmem:$0x1F6F8] =	vst v63  }
0x27d: {  	s5 =	simm.s32 $0x0  }
0x27e: {  	s2 =	simm.s32 $0xF219;
	s5 =	simm.s32 @!p1 $0x200  }
.LBB2_51:
0x27f: {  	v0 =	vld.msk [tilespmem:s2+$0x0], $0x1;
	s0 =	sadd.s32 $0xFFFFFFFF, s0;
	s3 =	sadd.s32 s3, s5  }
0x280: {  	p1 =	sne.s32 s0, $0x0;
	_ =	sdelay $0x3  }
0x281: {  	(v2sf) =	vpush v0, $0x0;
	_ =	sdelay $0xe  }
.Ltmp41:
0x282: {  	s6 =	spop (v2sf);
	(pc) =	sbr.rel @p1 .LBB2_51-.Ltmp41, $4  }
0x283: {  	s5 =	simm.s32 $0x0;
	p2 =	sgt.u32 s6, $0xC34F0  }
0x284: {  	s4 =	sadd.s32 $0x80, s4;
	s5 =	simm.s32 @!p2 $0x200;
	s7 =	sand.u32 @!p2 $0xFFFF8, s6  }
0x285: {  	s2 =	sadd.s32 $0x1, s2;
	s6 =	sand.u32 @!p2 $0x7, s6;
	s7 =	sadd.s32 @!p2 s1, s7  }
0x286: {  	[hbm4b:s7+s6] =	stream.linear.scatter @!p2 [tilespmem:s4], [sflag:$0x7], $0x80, $0x38;
	[tilespmem:$0x1F6F8] =	vst v63  }
.LBB2_52:
0x287: {  	s0 =	sadd.s32 s3, s5  }
0x288: {  	s3 =	sshrl.u32 s0, $0x2  }
.LBB2_53:
0x289: {  	s0 =	simm.s32 $0x7  }
0x28a: {  	_ =	swait.ge [sflag:s0], s3  }
0x28b: {  	s1 =	ssub.s32 $0x0, s3;
	[sflag:s0] =	ssyncset.done $0x0  }
0x28c: {  	[sflag:s0] =	ssyncadd.s32 s1  }
0x28d: {  	[sflag:s0] =	ssyncpa.u1 $0x1  }
.LBB2_54:
0x28e: {  	_ =	sfence;
	s0 =	simm.s32 $0x1  }
0x28f: {  	[sflag:s0] =	ssyncpa.u1 $0x1  }
0x290: {  	_ =	strace $0x9000004D  }
0x291: {  	[bflag:$0x2] =	sbarrier.arrive $0xFFFF  }
0x292: {  	s0 =	rddreg [dreg:$0x3]  }
0x293: {  	s0 =	sadd.s32 @!p0 $0x100000, s0  }
0x294: {  	[sflag:s0] =	ssyncadd.tile.s32 @!p0 $0x1;
	_ =	shalt  }
.Lfunc_end2:
_tile_overlayer_lowered:
.L_overlay_start_2:
0x295: {  	(tag) =	ssettag $0x2  }
0x296: {  	s0 =	rddreg [dreg:$0x0];
	s2 =	stileid.u32  }
0x297: {  	s1 =	rddreg [dreg:$0x1];
	p0 =	sne.s32 s2, $0x0  }
0x298: {  	s3 =	rddreg [dreg:$0x2];
	[bflag:$0x3] =	sbarrier.arrive $0xFFFF;
	s2 =	simm.s32 @!p0 $0x1C01  }
0x299: {  	[timem:s3], [sflag:s2] =	dma.local @!p0 [hbm:s0], s1  }
0x29a: {  	s0 =	simm.s32 @!p0 $0x1  }
0x29b: {  	_ =	swait.ge @!p0 [sflag:s0], s1  }
0x29c: {  	s1 =	ssub.s32 @!p0 $0x0, s1;
	[sflag:s0] =	ssyncset.done @!p0 $0x0  }
0x29d: {  	[sflag:s0] =	ssyncadd.s32 @!p0 s1  }
0x29e: {  	[bflag:$0x3] =	sbarrier.arrive $0xFFFF  }
0x29f: {  	_ =	shalt  }

// kernel: scatter_offload_async_start
scs
__scs_entry_jumppad:
0x0: {  	(pc) =	sbr.rel $0x88, $3  }
0x1: {  	(tag) =	ssettag $0x0;
	lr =	simm.s32 $0x1  }
0x2: {  	[smem:$0x3F9B] =	sst lr;
	_ =	strace $0xD0000000  }
0x3: {  	_ = 	snop  }
0x4: {  	_ = 	snop  }
0x5: {  	_ = 	snop  }
0x6: {  	_ = 	snop  }
0x7: {  	_ = 	snop  }
__scs_overlays_trampoline_lowered:
0x8: {  	[smem:$0x3FAA] =	sst s0  }
0x9: {  	[smem:$0x3FAB] =	sst s1  }
0xa: {  	[smem:$0x3FAC] =	sst s2  }
0xb: {  	[smem:$0x3FAD] =	sst s3  }
0xc: {  	[smem:$0x3FAE] =	sst s4  }
0xd: {  	[smem:$0x3FAF] =	sst s5  }
0xe: {  	[smem:$0x3FB0] =	sst s6  }
0xf: {  	[smem:$0x3FB1] =	sst s7  }
0x10: {  	[smem:$0x3FB2] =	sst s8  }
0x11: {  	[smem:$0x3FB3] =	sst s9;
	s0 =	simm.s32 @!p0 $0x0  }
0x12: {  	s1 =	sld [smem:$0x3F99];
	s0 =	simm.s32 @p0 $0x1  }
0x13: {  	[smem:$0x3FB4] =	sst s0;
	s0 =	simm.s32 @!p1 $0x0  }
0x14: {  	s2 =	sld [smem:$0x3F98];
	s0 =	simm.s32 @p1 $0x1  }
0x15: {  	[smem:$0x3FB5] =	sst s0;
	s0 =	simm.s32 @!p2 $0x0  }
0x16: {  	s3 =	sld [smem:$0x3FDB];
	s0 =	simm.s32 @p2 $0x1  }
0x17: {  	s4 =	simm.s32 $0x1BF5;
	[smem:$0x3FB7] =	sst s0  }
0x18: {  	s0 =	sld [smem:$0x3F9A];
	_ =	swait.ge [sflag:s4], $0x0  }
0x19: {  	s7 =	sld [smem:$0x3F9B]  }
0x1a: {  	s8 =	sadd.s32 $0xFFFFE003, lr  }
0x1b: {  	s9 =	sadd.s32 $0xFFFFFEF7, lr;
	s5 =	simm.s32 $0xFFFFFFFF;
	p2 =	slt.u32 s8, $0xFFFFF086  }
0x1c: {  	p1 =	slt.u32 s9, $0xF7A;
	s5 =	simm.s32 @!p2 $0x0  }
0x1d: {  	s5 =	simm.s32 @p1 $0x1;
	p0 =	seq.s32 s7, s2  }
0x1e: {  	s7 =	smul.u32 @!p0 $0xF7A, s2;
	p2 =	seq.s32 @!p0 s5, $0x0  }
0x1f: {  	s9 =	smul.u32 $0xF7A, s1;
	s8 =	simm.s32 @!p0 $0x1BF5;
	p2 =	por !p2, p0  }
0x20: {  	[sflag:s8] =	ssyncset.s32 @!p0 $0xFFFFF086;
	s6 =	sadd.s32 @!p0 s3, s7;
	s7 =	simm.s32 @!p0 $0x108  }
0x21: {  	s3 =	sadd.s32 s3, s9;
	s6 =	sadd.s32 @!p0 $0x88, s6;
	s7 =	simm.s32 @p2 $0x1082  }
0x22: {  	[simem:s7], [sflag:s8] =	dma.local @!p0 [hbm:s6], $0xF7A  }
0x23: {  	s9 =	sor.u32 $0xD0000000, s2;
	s6 =	simm.s32 $0x108;
	_ =	swait.ge @!p0 [sflag:s8], $0x0  }
0x24: {  	s3 =	sadd.s32 $0x88, s3;
	s6 =	simm.s32 @!p1 $0x1082;
	[sflag:s4] =	ssyncset.s32 $0xFFFFF086  }
0x25: {  	[simem:s6], [sflag:s4] =	dma.local [hbm:s3], $0xF7A  }
0x26: {  	[smem:$0x3F9B] =	sst s1;
	(tag) =	ssettag s2;
	_ =	strace s9  }
0x27: {  	s1 =	sld [smem:$0x3FAB]  }
0x28: {  	s2 =	sld [smem:$0x3FAC]  }
0x29: {  	s4 =	sld [smem:$0x3FAE]  }
0x2a: {  	p0 =	seq.s32 s5, $0x0;
	s5 =	sld [smem:$0x3FAF]  }
0x2b: {  	s6 =	sld [smem:$0x3FB0]  }
0x2c: {  	s7 =	sld [smem:$0x3FB1]  }
0x2d: {  	s3 =	simm.s32 $0x108;
	s8 =	sld [smem:$0x3FB2]  }
0x2e: {  	s3 =	simm.s32 @!p0 $0x1082;
	s9 =	sld [smem:$0x3FB3]  }
0x2f: {  	lr =	sadd.s32 s0, s3;
	s0 =	sld [smem:$0x3FAA]  }
0x30: {  	s3 =	sld [smem:$0x3FAD]  }
0x31: {  	[smem:$0x3FB6] =	sst s10  }
0x32: {  	s10 =	sld [smem:$0x3FB4];
	_ =	sdelay $0x3  }
0x33: {  	p0 =	seq.s32 s10, $0x1;
	s10 =	sld [smem:$0x3FB6];
	_ =	sdelay $0x3  }
0x34: {  	[smem:$0x3FB6] =	sst s10  }
0x35: {  	s10 =	sld [smem:$0x3FB5];
	_ =	sdelay $0x3  }
0x36: {  	p1 =	seq.s32 s10, $0x1;
	s10 =	sld [smem:$0x3FB6];
	_ =	sdelay $0x3  }
0x37: {  	[smem:$0x3FB6] =	sst s10  }
0x38: {  	s10 =	sld [smem:$0x3FB7]  }
0x39: {  	_ = 	snop;
	(pc) =	sbr.ind lr, $3  }
0x3a: {  	_ = 	snop  }
0x3b: {  	_ = 	snop  }
0x3c: {  	p2 =	seq.s32 s10, $0x1;
	s10 =	sld [smem:$0x3FB6]  }
0x3d: {  	_ =	shalt  }
0x3e: {  	_ =	shalt  }
0x3f: {  	_ =	shalt  }
0x40: {  	_ =	shalt  }
0x41: {  	_ =	shalt  }
0x42: {  	_ =	shalt  }
0x43: {  	_ =	shalt  }
0x44: {  	_ =	shalt  }
0x45: {  	_ =	shalt  }
0x46: {  	_ =	shalt  }
0x47: {  	_ =	shalt  }
0x48: {  	_ =	shalt  }
0x49: {  	_ =	shalt  }
0x4a: {  	_ =	shalt  }
0x4b: {  	_ =	shalt  }
0x4c: {  	_ =	shalt  }
0x4d: {  	_ =	shalt  }
0x4e: {  	_ =	shalt  }
0x4f: {  	_ =	shalt  }
0x50: {  	_ =	shalt  }
0x51: {  	_ =	shalt  }
0x52: {  	_ =	shalt  }
0x53: {  	_ =	shalt  }
0x54: {  	_ =	shalt  }
0x55: {  	_ =	shalt  }
0x56: {  	_ =	shalt  }
0x57: {  	_ =	shalt  }
0x58: {  	_ =	shalt  }
0x59: {  	_ =	shalt  }
0x5a: {  	_ =	shalt  }
0x5b: {  	_ =	shalt  }
0x5c: {  	_ =	shalt  }
0x5d: {  	_ =	shalt  }
0x5e: {  	_ =	shalt  }
0x5f: {  	_ =	shalt  }
0x60: {  	_ =	shalt  }
0x61: {  	_ =	shalt  }
0x62: {  	_ =	shalt  }
0x63: {  	_ =	shalt  }
0x64: {  	_ =	shalt  }
0x65: {  	_ =	shalt  }
0x66: {  	_ =	shalt  }
0x67: {  	_ =	shalt  }
0x68: {  	_ =	shalt  }
0x69: {  	_ =	shalt  }
0x6a: {  	_ =	shalt  }
0x6b: {  	_ =	shalt  }
0x6c: {  	_ =	shalt  }
0x6d: {  	_ =	shalt  }
0x6e: {  	_ =	shalt  }
0x6f: {  	_ =	shalt  }
0x70: {  	_ =	shalt  }
0x71: {  	_ =	shalt  }
0x72: {  	_ =	shalt  }
0x73: {  	_ =	shalt  }
0x74: {  	_ =	shalt  }
0x75: {  	_ =	shalt  }
0x76: {  	_ =	shalt  }
0x77: {  	_ =	shalt  }
0x78: {  	_ =	shalt  }
0x79: {  	_ =	shalt  }
0x7a: {  	_ =	shalt  }
0x7b: {  	_ =	shalt  }
0x7c: {  	_ =	shalt  }
0x7d: {  	_ =	shalt  }
0x7e: {  	_ =	shalt  }
0x7f: {  	_ =	shalt  }
0x80: {  	_ =	shalt  }
0x81: {  	_ =	shalt  }
0x82: {  	_ =	shalt  }
0x83: {  	_ =	shalt  }
0x84: {  	_ =	shalt  }
0x85: {  	_ =	shalt  }
0x86: {  	_ =	shalt  }
0x87: {  	_ =	shalt  }
.Lfunc_end0:
.L_simem_size_0:
called_computation_lowered:
.L_overlay_start_0:
0x88: {  	s0 =	sld [smem:$0x3FD9]  }
0x89: {  	s1 =	sld [smem:$0x3FFE];
	_ =	sdelay $0x3  }
0x8a: {  	s0 =	sadd.s32 s1, s0  }
0x8b: {  	[smem:$0x3FC2] =	sst s0  }
0x8c: {  	_ = 	snop  }
0x8d: {  	s0 =	sld [smem:$0x3FD0];
	(tm) =	ssettm $0x1  }
0x8e: {  	s16 =	sld [smem:$0x3FFB];
	_ =	sdelay $0x3  }
0x8f: {  	_ =	strace s16  }
0x90: {  	s1 =	sld [smem:$0x3FFC];
	_ =	sdelay $0x3  }
0x91: {  	_ =	strace s1  }
0x92: {  	s1 =	sld [smem:$0x3FFD];
	_ =	sdelay $0x3  }
0x93: {  	_ =	strace s1  }
0x94: {  	_ =	strace $0x8FFFFFFF  }
0x95: {  	s17 =	sld [smem:$0x3FDB];
	_ =	sdelay $0x1  }
0x96: {  	s2 =	simm.s32 $_scs_section_size  }
0x97: {  	s3 =	simm.s32 $_size__tile_overlayer_lowered;
	s4 =	simm.s32 $_tile_overlayer_lowered  }
0x98: {  	s20 =	simm.s32 $0x1BFF;
	s19 =	sshll.u32 s4, $0x1;
	s1 =	sadd.s32 s2, s17  }
0x99: {  	s5 =	simm.s32 $0x0;
	s18 =	sshll.u32 s3, $0x1;
	s3 =	sadd.s32 s19, s1  }
0x9a: {  	[timem:s5], [sflag:s20] =	dma.local [hbm:s3], s18  }
0x9b: {  	_ =	swait.ge [sflag:s20], s18  }
0x9c: {  	s2 =	ssub.s32 $0x0, s18;
	[sflag:s20] =	ssyncset.done $0x0  }
0x9d: {  	[sflag:s20] =	ssyncadd.s32 s2;
	_ =	sdelay $0x1  }
0x9e: {  	s21 =	simm.s32 $0x1B8B  }
0x9f: {  	_ =	swait.ge [sflag:s21], $0x1  }
0xa0: {  	[sflag:s21] =	ssyncset.done $0x0  }
0xa1: {  	s23 =	simm.s32 $0x1B8E;
	s22 =	sld [smem:$0x3FFE];
	[sflag:s21] =	ssyncadd.s32 $0xFFFFFFFF  }
0xa2: {  	s24 =	simm.s32 $execute0_lowered;
	[smem:$0x3FD2] =	sst s23  }
0xa3: {  	s3 =	sshll.u32 s24, $0x1;
	_ =	strace $0x80000046;
	[dreg:$0x1] =	wrdreg $0xFFFFFFFF  }
0xa4: {  	s25 =	simm.s32 $_size_execute0_lowered;
	s1 =	sadd.s32 s1, s3;
	[dreg:$0x0] =	wrdreg $0x0  }
0xa5: {  	s3 =	sshll.u32 s25, $0x1;
	[dreg:$0x2] =	wrdreg s1  }
0xa6: {  	[dreg:$0x3] =	wrdreg s3  }
0xa7: {  	[dreg:$0x4] =	wrdreg $0xC0  }
0xa8: {  	_ =	task [dreg:s5], $0x5FFFF  }
0xa9: {  	[dreg:$0x1] =	wrdreg $0xFFFFFFFF  }
0xaa: {  	[dreg:$0x0] =	wrdreg $0x60  }
0xab: {  	[dreg:$0x2] =	wrdreg s22  }
0xac: {  	[dreg:$0x3] =	wrdreg s0  }
0xad: {  	[dreg:$0x4] =	wrdreg $0x9  }
0xae: {  	_ =	task.clear_ibuf [dreg:s5], $0x5FFFF;
	_ =	strace $0x90000046  }
0xaf: {  	s26 =	simm.s32 $0x9;
	_ =	strace $0x80000048  }
0xb0: {  	_ =	swait.ge [sflag:s26], $0x1  }
0xb1: {  	[sflag:s26] =	ssyncadd.s32 $0xFFFFFFFF  }
0xb2: {  	_ =	strace $0x90000048  }
0xb3: {  	_ =	sfence  }
0xb4: {  	s28 =	sld [smem:$0x0];
	_ =	sdelay $0x1  }
0xb5: {  	s29 =	srdreg.scid  }
0xb6: {  	s30 =	sshll.u32 s29, $0xD;
	s31 =	sshrl.u32 s29, $0x2  }
0xb7: {  	s2 =	sand.u32 $0x4000, s30;
	s1 =	sand.u32 $0x1, s29;
	s0 =	sadd.s32 s31, s28  }
0xb8: {  	s1 =	sor.u32 s2, s1;
	s0 =	sshll.u32 s0, $0x11  }
0xb9: {  	s0 =	sor.u32 s0, s1  }
0xba: {  	s0 =	sadd.s32 $0x8F2B, s0  }
0xbb: {  	[sflag:s0] =	ssyncadd.remote.s32 $0x1  }
0xbc: {  	_ =	sfence.sel $0xFFFF  }
0xbd: {  	[dreg:$0x0] =	wrdreg $0xFFFFFFFF;
	(pc) =	sbr.abs _section_cstart, $3  }
0xbe: {  	[dreg:$0x1] =	wrdreg $0xFFFFFFFF  }
0xbf: {  	_ =	task.clear_ibuf [dreg:s5], $0x2FFFF;
	_ =	strace $0x9FFFFFFF  }
0xc0: {  	(tm) =	ssettm $0x7FFFFFFF  }
0xc1: {  	_ =	shalt  }
tec
execute0_lowered:
.L_overlay_start_1:
0x0: {  	(tag) =	ssettag $0x1  }
0x1: {  	s0 =	rddreg [dreg:$0x0];
	s14 =	stileid.u32  }
0x2: {  	s3 =	rddreg [dreg:$0x1];
	s1 =	smul.u32 $0x6, s14  }
0x3: {  	_ =	strace $0x80000047;
	s2 =	simm.s32 $0x1;
	s4 =	smin.u32 s14, $0x4  }
0x4: {  	v1 =	vimm.s32 $0xFFFFFFFF;
	[sflag:s2] =	ssyncpa.u1 $0x0;
	s1 =	sadd.s32 s4, s1  }
0x5: {  	p0 =	slt.u32 s14, $0x4;
	[tilespmem:$0x10] =	vst v1;
	s4 =	smul.u32 $0x1F40, s1;
	s1 =	simm.s32 $0xDAC0  }
0x6: {  	v0 =	vimm.f32 $0.0e+00;
	[tilespmem:$0x20] =	vst v1;
	s1 =	simm.s32 @!p0 $0xBB80  }
0x7: {  	[tilespmem:$0x30] =	vst v0;
	s1 =	sadd.s32 s1, s4  }
0x8: {  	[tilespmem:$0x40] =	vst v0;
	s5 =	smin.u32 s1, $0xC3500  }
0x9: {  	[tilespmem:$0x50] =	vst v0;
	s9 =	ssub.s32 s5, s4  }
0xa: {  	s7 =	simm.s32 $0x2;
	[tilespmem:$0x60] =	vst v1;
	p0 =	sgt.s32 s9, $0x0  }
0xb: {  	s8 =	simm.s32 $0x8;
	s31 =	simm.s32 $0x9;
	[tilespmem:$0x70] =	vst v1;
	s9 =	simm.s32 @!p0 $0x0  }
0xc: {  	s16 =	simm.s32 $0x0;
	s17 =	simm.s32 $0xF0;
	[tilespmem:$0x80] =	vst v1;
	s30 =	smulhi.u32 $0x10624DD3, s9  }
0xd: {  	s18 =	simm.s32 $0xFFFFFFFF;
	s19 =	simm.s32 $0xFFFFC280;
	s20 =	simm.s32 $0xFFFFFFFE;
	v1 =	vimm.s32 $0x0;
	[tilespmem:$0xB0] =	vst v0  }
0xe: {  	s21 =	simm.s32 $0xF;
	s25 =	simm.s32 $0x0;
	[tilespmem:$0x90] =	vst v1;
	s10 =	sshrl.u32 s30, $0x9  }
0xf: {  	[tilespmem:$0xA0] =	vst v1;
	[sflag:s7] =	ssyncpa.u1 $0x0;
	s7 =	simm.s32 $0x7;
	s11 =	smul.u32 $0x1F40, s10  }
0x10: {  	s24 =	simm.s32 $0x0;
	s6 =	sadd.s32 $0x49800, s0;
	[sflag:s7] =	ssyncpa.u1 $0x0  }
.Ltmp0:
0x11: {  	[sflag:s8] =	ssyncpa.u1 $0x0;
	p0 =	sne.s32 s9, s11;
	(pc) =	sbr.rel .LBB2_1-.Ltmp0, $4  }
0x12: {  	[sflag:s31] =	ssyncpa.u1 $0x0;
	s23 =	smov.u32 s4;
	s2 =	simm.s32 @!p0 $0x0  }
0x13: {  	s1 =	sadd.s32 $0x62000, s0;
	p0 =	por $0x0, $0x0;
	s9 =	sadd.s32 s2, s10  }
0x14: {  	vm0 =	vmmov $0xffff;
	v2 =	vlaneseq.u32;
	s10 =	sshll.u32 s14, $0x1;
	s14 =	sshllo.u32 s14, $0x1;
	s11 =	sadd.s32 $0x1, s9  }
0x15: {  	vm1 =	vmxor vm1, vm1;
	vm2 =	vmmov $0x1;
	vm3 =	vcmask $0x3F3C;
	s12 =	sadd.s32 $0x2, s9;
	s13 =	sor.u32 $0x81, s10;
	s15 =	sor.u32 $0x80, s10  }
.LBB2_9:
0x16: {  	p1 =	slt.u32 s24, $0x3  }
0x17: {  	s0 =	simm.s32 @!p1 $0x2  }
0x18: {  	_ =	swait.ge @!p1 [sflag:s0], $0x1F40  }
0x19: {  	[sflag:s0] =	ssyncset.done @!p1 $0x0  }
0x1a: {  	[sflag:s0] =	ssyncadd.s32 @!p1 $0xFFFFE0C0;
	s0 =	simm.s32 @!p1 $0x9  }
0x1b: {  	_ =	swait.ge @!p1 [sflag:s0], $0x10  }
0x1c: {  	[sflag:s0] =	ssyncset.done @!p1 $0x0  }
0x1d: {  	[sflag:s0] =	ssyncadd.s32 @!p1 $0xFFFFFFF0;
	p1 =	sne.s32 s24, s12  }
.Ltmp1:
0x1e: {  	s2 =	sadd.s32 $0x1F40, s23;
	(pc) =	sbr.rel @!p1 .LBB2_10-.Ltmp1, $4  }
0x1f: {  	s22 =	smov.u32 s4;
	s31 =	sadd.s32 $0x1, s24;
	s17 =	sadd.s32 $0x1F40, s17  }
0x20: {  	s18 =	sadd.s32 $0x1, s18;
	s25 =	smov.u32 s23;
	p2 =	slt.s32 s2, s5  }
0x21: {  	p0 =	por !p0, !p0;
	s19 =	sadd.s32 $0x1F40, s19;
	s22 =	smov.u32 @p2 s2  }
0x22: {  	s20 =	sadd.s32 $0x1, s20;
	s23 =	smov.u32 s22;
	s24 =	smov.u32 s31  }
.LBB2_1:
0x23: {  	p1 =	sge.u32 s24, s9  }
0x24: {  	s0 =	smulhi.u32 @!p1 $0xAAAAAAAB, s24;
	_ =	sdelay $0x1  }
0x25: {  	s0 =	sshrl.u32 @!p1 s0, $0x1  }
0x26: {  	s0 =	smul.u32 @!p1 $0x3, s0;
	_ =	sdelay $0x1  }
0x27: {  	s0 =	ssub.s32 @!p1 s24, s0  }
0x28: {  	s0 =	smul.u32 @!p1 $0x7D00, s0;
	_ =	sdelay $0x1  }
0x29: {  	s2 =	sshrl.u32 @!p1 s23, $0x3;
	s0 =	sshrl.u32 @!p1 s0, $0x2  }
0x2a: {  	s22 =	sand.u32 @!p1 $0x7, s23;
	s2 =	sadd.s32 @!p1 s3, s2;
	s0 =	sadd.s32 @!p1 $0x100, s0  }
0x2b: {  	[tilespmem:s0], [sflag:$0x7] =	stream.linear.gather @!p1 [hbm4b:s2+s22], $0x1F40, $0x38;
	[tilespmem:$0x11A60] =	vst v63  }
0x2c: {  	s0 =	sadd.s32 $0xFFFFFFFF, s24  }
0x2d: {  	p1 =	sge.u32 s0, s9  }
.Ltmp2:
0x2e: {  	_ = 	snop;
	(pc) =	sbr.rel @p1 .LBB2_5-.Ltmp2, $1  }
0x2f: {  	_ =	sdelay $0x3  }
0x30: {  	s2 =	smulhi.u32 $0xAAAAAAAB, s0;
	_ =	sdelay $0x1  }
0x31: {  	s2 =	sshrl.u32 s2, $0x1  }
0x32: {  	s2 =	smul.u32 $0x3, s2;
	_ =	sdelay $0x1  }
0x33: {  	s2 =	ssub.s32 s0, s2  }
0x34: {  	s2 =	smul.u32 $0x7D00, s2  }
0x35: {  	_ =	swait.ge [sflag:s7], $0x1F40  }
0x36: {  	[sflag:s7] =	ssyncset.done $0x0;
	s2 =	sshrl.u32 s2, $0x2  }
0x37: {  	[sflag:s7] =	ssyncadd.s32 $0xFFFFE0C0;
	(ifvalue) =	ssetifvalue $0xFFFFFFFF;
	v3 =	vld.msk [tilespmem:s2+$0x100 ss:$0x1], $0xffff;
	_ =	sdelay $0x2  }
0x38: {  	s30 =	smulhi.u32 $0xAAAAAAAB, s18;
	p1 =	sne.s32 s24, $0x1  }
0x39: {  	v4 =	vimm.s32 @!p1 $0x0  }
0x3a: {  	s2 =	sshrl.u32 s30, $0x1;
	v4 =	vperm.xlane @!p1 v3, v4  }
0x3b: {  	s22 =	sshll.u32 s24, $0x4;
	s2 =	smul.u32 $0xFFFE8900, s2;
	vm4 =	vlt.u32 v3, $0xC400  }
0x3c: {  	s22 =	sand.u32 $0x10, s22;
	v3 =	vnsel vm4, $0xFFFFFFFE, v3;
	vm4 =	vlt.u32 @!p1 v4, $0xC400  }
0x3d: {  	s2 =	sshra.s32 s2, $0x2;
	[tilespmem:s22+$0x60] =	vst v3;
	v3 =	vnsel @!p1 vm4, $0xFFFFFFFE, v4  }
0x3e: {  	s28 =	sadd.s32 s2, s17;
	[tilespmem:$0x80] =	vst @!p1 v3  }
0x3f: {  	v3 =	vld.msk [tilespmem:s28+$0x0 ss:$0x1], $0xffff;
	_ =	sdelay $0x4  }
0x40: {  	(xrf1) =	vunique.msk.u32 $0xffff, v3;
	_ =	sdelay $0xd  }
0x41: {  	v4 =	vimm.s32 $0xFFFFFFFF;
	v5, _, _ =	vpop (xrf1)  }
0x42: {  	vm5 =	vne.s32 v3, v4;
	vm4 =	veq.s32 v5, v2  }
0x43: {  	vm6 =	vlt.u32 v3, $0xC400;
	vm4 =	vmand vm5, vm4  }
0x44: {  	vm4 =	vmand vm6, vm4  }
0x45: {  	v4 =	vnsel vm4, $0xFFFFFFFF, v3  }
0x46: {  	s31 =	sand.u32 $0x1, s0  }
0x47: {  	s0 =	simm.s32 $0x1F40;
	p1 =	seq.s32 s31, $0x1  }
0x48: {  	s0 =	simm.s32 @!p1 $0x0  }
0x49: {  	s26 =	sadd.s32 $0x7DF0, s0;
	(ifvalue) =	ssetifvalue $0xFFFFFFFF  }
0x4a: {  	v3 =	vperm.xlane v3, v1;
	[tilespmem:s26], [sflag:$0x8] =	stream.indirect_vreg.gather [hbm4b:s1+s16], $0x1, v4, vm0, $0x4038;
	v4 =	vnsel vm6, $0xFFFFFFFE, v4;
	[tilespmem:$0x11A60] =	vst v63  }
0x4b: {  	s2 =	simm.s32 $0x0;
	s22 =	sadd.s32 $0xFFFFFFF0, s28;
	[tilespmem:s28+$0x0] =	vst v4  }
.LBB2_3:
0x4c: {  	v4 =	vld.msk [tilespmem:s22+$0x0 ss:$0x1], $0xffff;
	s2 =	sadd.s32 $0x10, s2;
	v5 =	vmov v3;
	s28 =	smov.u32 s22  }
0x4d: {  	p1 =	slt.u32 s2, $0x1F30;
	_ =	sdelay $0x4  }
0x4e: {  	v3 =	vperm.xlane v4, v1;
	(xrf1) =	vunique.msk.u32 $0xffff, v4;
	_ =	sdelay $0xd  }
0x4f: {  	v6, _, _ =	vpop (xrf1)  }
0x50: {  	vm5 =	vne.s32 v4, v5;
	vm4 =	veq.s32 v6, v2  }
0x51: {  	vm6 =	vlt.u32 v4, $0xC400;
	vm4 =	vmand vm5, vm4  }
0x52: {  	vm4 =	vmand vm6, vm4  }
0x53: {  	v4 =	vnsel vm4, $0xFFFFFFFF, v4  }
.Ltmp3:
0x54: {  	v5 =	vnsel vm6, $0xFFFFFFFE, v4;
	(pc) =	sbr.rel @p1 .LBB2_3-.Ltmp3, $3  }
0x55: {  	_ =	sdelay $0x1  }
0x56: {  	s22 =	sadd.s32 $0xFFFFFFF0, s22;
	s26 =	sadd.s32 $0xFFFFFFF0, s26;
	(ifvalue) =	ssetifvalue $0xFFFFFFFF  }
0x57: {  	[tilespmem:s26], [sflag:$0x8] =	stream.indirect_vreg.gather [hbm4b:s1+s16], $0x1, v4, vm0, $0x4038;
	[tilespmem:s28+$0x0] =	vst v5  }
0x58: {  	s2 =	sshrl.u32 s25, $0x3  }
0x59: {  	s0 =	sadd.s32 $0x9D40, s0;
	s2 =	sadd.s32 s6, s2  }
0x5a: {  	[tilespmem:s0], [sflag:$0x8] =	stream.linear.gather [hbm:s2], $0x1F40, $0x38;
	[tilespmem:$0x11A60] =	vst v63  }
.LBB2_5:
0x5b: {  	p1 =	slt.u32 s24, $0x2  }
0x5c: {  	p2 =	sge.u32 @!p1 s24, s12  }
0x5d: {  	p1 =	por p1, p2  }
.Ltmp4:
0x5e: {  	_ = 	snop;
	(pc) =	sbr.rel @p1 .LBB2_9-.Ltmp4, $1  }
0x5f: {  	_ =	sdelay $0x3  }
0x60: {  	s0 =	sadd.s32 $0xFFFFFFFE, s24  }
0x61: {  	s2 =	smulhi.u32 $0xAAAAAAAB, s0;
	_ =	sdelay $0x1  }
0x62: {  	s2 =	sshrl.u32 s2, $0x1  }
0x63: {  	s2 =	smul.u32 $0x3, s2;
	_ =	sdelay $0x1  }
0x64: {  	s0 =	ssub.s32 s0, s2  }
0x65: {  	_ =	swait.ge [sflag:s8], $0x3E80;
	s0 =	smul.u32 $0x1F40, s0  }
0x66: {  	p1 =	sne.s32 s24, s11;
	[sflag:s8] =	ssyncset.done $0x0  }
0x67: {  	[sflag:s8] =	ssyncadd.s32 $0xFFFFC180;
	s2 =	sadd.s32 @!p1 $0x203F, s0  }
0x68: {  	[spmem:s13] =	stream.linear.scatter @!p1 [tilespmem:s2], [sflag:$0x1], $0x1, $0x38;
	[tilespmem:$0x11A60] =	vst v63  }
0x69: {  	s2 =	simm.s32 @!p1 $0x1  }
0x6a: {  	_ =	swait.ge @!p1 [sflag:s2], $0x1  }
0x6b: {  	s22 =	sshll.u32 s24, $0x4;
	[sflag:s2] =	ssyncset.done @!p1 $0x0  }
0x6c: {  	s25 =	sand.u32 $0x10, s22;
	[sflag:s2] =	ssyncadd.s32 @!p1 $0xFFFFFFFF  }
0x6d: {  	s2 =	sxor.u32 $0x10, s25;
	v4 =	vld [tilespmem:s25+$0x10]  }
0x6e: {  	v5 =	vld [tilespmem:s2+$0x60]  }
0x6f: {  	v3 =	vld [tilespmem:$0x80];
	_ =	sdelay $0x2  }
0x70: {  	(v2sf) =	vpush v4, $0x0  }
0x71: {  	(v2sf) =	vpush v5, $0x0  }
0x72: {  	(v2sf) =	vpush v3, $0x0;
	_ =	sdelay $0xc  }
0x73: {  	s22 =	spop (v2sf)  }
0x74: {  	s26 =	spop (v2sf)  }
0x75: {  	s28 =	spop (v2sf)  }
0x76: {  	p2 =	seq.s32 s22, s26;
	p3 =	seq.s32 s28, s22  }
0x77: {  	p3 =	por p2, p3  }
0x78: {  	s26 =	sand.u32 $0x1, s24;
	v4 =	vpsel p3, $0xFFFFFFFF, v4  }
0x79: {  	s29 =	smul.u32 $0x1F40, s26;
	[tilespmem:s25+$0x10] =	vst.msk $0x1, v4  }
0x7a: {  	v4 =	vld [tilespmem:$0x30]  }
0x7b: {  	v5 =	vld [tilespmem:s29+$0x9D40]  }
0x7c: {  	v6 =	vld [tilespmem:s25+$0x40];
	_ =	sdelay $0x3  }
0x7d: {  	vm4 =	vmmov vm1;
	v5 =	vadd.f32 v5, v4  }
0x7e: {  	vm5 =	vmmov vm2;
	vm4 =	vmmov @p2 vm2;
	s22 =	sshll.u32 s26, $0x4;
	v4 =	vadd.f32 v6, v4  }
0x7f: {  	s26 =	sor.u32 $0x11A40, s22;
	vm5 =	vmmov @p3 vm1;
	[tilespmem:s29+$0x9D40] =	vst.msk vm4, v5  }
0x80: {  	[tilespmem:s26+$0x0] =	vst.msk vm5, v4  }
0x81: {  	v4 =	vld [tilespmem:s29+$0x7DF0];
	_ =	sdelay $0x3  }
0x82: {  	v5 =	vimm.f32 $0.0e+00  }
0x83: {  	v4 =	vshift.insert v4, v5, s21  }
0x84: {  	s22 =	sor.u32 $0x40, s2  }
0x85: {  	[tilespmem:s22+$0x0] =	vst.msk $0x1, v4  }
0x86: {  	[tilespmem:s29+$0x7DFF] =	vst.msk $0x1, v5  }
0x87: {  	v4 =	vld [tilespmem:s0+$0x2030];
	_ =	sdelay $0x1  }
0x88: {  	s22 =	smulhi.u32 $0xAAAAAAAB, s20;
	s0 =	simm.s32 $0x1  }
0x89: {  	s0 =	simm.s32 @!p0 $0x0  }
0x8a: {  	s22 =	sshrl.u32 s22, $0x1;
	s0 =	smul.u32 $0x7D00, s0  }
0x8b: {  	s22 =	smul.u32 $0xFFFE8900, s22;
	v4 =	vshift.insert v4, v1, s21  }
0x8c: {  	s0 =	sshrl.u32 s0, $0x2  }
0x8d: {  	s22 =	sshra.s32 s22, $0x2;
	s30 =	sadd.s32 $0x9D40, s0;
	[tilespmem:s2+$0x10] =	vst.msk $0x1, v4  }
0x8e: {  	s22 =	sadd.s32 s22, s19;
	v6 =	vld [tilespmem:s30+$0x0]  }
0x8f: {  	v7 =	vld [tilespmem:s22+$0x0];
	_ =	sdelay $0x3  }
0x90: {  	v5 =	vadd.f32 v6, v5  }
0x91: {  	vm4 =	vne.s32 v7, $0xFFFFFFFF  }
0x92: {  	(xrf2) =	vadd.seg.scan.f32 vm4, v5;
	_ =	sdelay $0x3  }
0x93: {  	s31 =	sadd.s32 $0x5EC0, s0;
	v5 =	vperm.xlane v4, v1  }
0x94: {  	v6 =	vld [tilespmem:s31+$0x0]  }
0x95: {  	vm5 =	veq.s32 v7, v3;
	vm6 =	veq.s32 v7, v5  }
0x96: {  	vm7 =	vgt.u32 v7, $0xFFFFFFFD;
	vm6 =	vmor vm6, vm5  }
0x97: {  	vm6 =	vmor vm6, vm7  }
0x98: {  	v9 =	vld [tilespmem:$0xA0];
	v7 =	vsel vm6, $0xFFFFFFFF, v7  }
0x99: {  	v10 =	vld [tilespmem:$0x90];
	v6 =	vsel vm5, $0x0, v6;
	v8, _, _ =	vpop (xrf2)  }
0x9a: {  	v6 =	vadd.f32 v8, v6  }
0x9b: {  	s0 =	sadd.s32 $0xDBC0, s0  }
0x9c: {  	vm4 =	vmand vm4, vm3;
	[tilespmem:s0+$0x0] =	vst v6;
	(ifvalue) =	ssetifvalue $0xFFFFFFFF  }
0x9d: {  	vm6 =	veq.s32 v9, $0x1;
	[hbm4b:s1+s16] =	stream.indirect_vreg.scatter [tilespmem:s0], [sflag:$0x2], $0x1, v7, vm0, $0x4038;
	v7 =	vsel vm4, $0x0, v8;
	[tilespmem:$0x11A60] =	vst v63  }
0x9e: {  	s2 =	simm.s32 $0x0;
	s22 =	sadd.s32 $0x10, s22;
	vm4 =	vmor vm6, vm5;
	v6 =	vsel vm5, v8, v10;
	v7 =	vshift.insert v7, v0, s21  }
.LBB2_7:
0x9f: {  	v8 =	vld [tilespmem:s22+$0x0];
	s30 =	sadd.s32 $0x10, s30  }
0xa0: {  	s31 =	sadd.s32 $0x10, s31;
	v9 =	vld [tilespmem:s30+$0x0]  }
0xa1: {  	s2 =	sadd.s32 $0x10, s2;
	v10 =	vld [tilespmem:s31+$0x0]  }
0xa2: {  	p2 =	slt.u32 s2, $0x1F30;
	_ =	sdelay $0x2  }
0xa3: {  	v7 =	vadd.f32 v9, v7  }
0xa4: {  	vm5 =	vne.s32 v8, $0xFFFFFFFF  }
0xa5: {  	vm6 =	vmand vm5, vm3;
	(xrf2) =	vadd.seg.scan.f32 vm5, v7;
	_ =	sdelay $0x5  }
0xa6: {  	vm7 =	veq.s32 v8, v5;
	vm5 =	veq.s32 v8, v3  }
0xa7: {  	vm8 =	vgt.u32 v8, $0xFFFFFFFD;
	vm4 =	vmor vm4, vm5;
	vm7 =	vmor vm7, vm5  }
0xa8: {  	vm7 =	vmor vm7, vm8  }
0xa9: {  	v8 =	vsel vm7, $0xFFFFFFFF, v8  }
.Ltmp5:
0xaa: {  	v7 =	vsel vm5, $0x0, v10;
	v9, _, _ =	vpop (xrf2);
	(pc) =	sbr.rel @p2 .LBB2_7-.Ltmp5, $4  }
0xab: {  	v6 =	vsel vm5, v9, v6;
	v10 =	vadd.f32 v9, v7;
	v7 =	vsel vm6, $0x0, v9  }
0xac: {  	s0 =	sadd.s32 $0x10, s0;
	v7 =	vshift.insert v7, v0, s21  }
0xad: {  	s22 =	sadd.s32 $0x10, s22;
	[tilespmem:s0+$0x0] =	vst v10;
	(ifvalue) =	ssetifvalue $0xFFFFFFFF  }
0xae: {  	[hbm4b:s1+s16] =	stream.indirect_vreg.scatter [tilespmem:s0], [sflag:$0x2], $0x1, v8, vm0, $0x4038;
	[tilespmem:$0x11A60] =	vst v63  }
0xaf: {  	v3 =	vld [tilespmem:s29+$0xFAF0];
	_ =	sdelay $0x4  }
0xb0: {  	v3 =	vshift.insert v3, v0, s21  }
0xb1: {  	s0 =	simm.s32 $0x30  }
0xb2: {  	[tilespmem:s0+$0x0] =	vst.msk $0x1, v3  }
0xb3: {  	v3 =	vsel vm4, $0x1, v1;
	[tilespmem:$0x90] =	vst v6  }
0xb4: {  	s0 =	sadd.s32 @!p1 $0xFAFF, s29;
	[tilespmem:$0xA0] =	vst v3  }
0xb5: {  	[spmem:s14] =	stream.linear.scatter @!p1 [tilespmem:s0], [sflag:$0x1], $0x1, $0x38;
	[tilespmem:$0x11A60] =	vst v63  }
0xb6: {  	s0 =	simm.s32 @!p1 $0x1  }
0xb7: {  	v3 =	vmctz.xlane @!p1 vm4;
	_ =	swait.ge @!p1 [sflag:s0], $0x1  }
0xb8: {  	(v2sf) =	vpush @!p1 v4, $0x0  }
0xb9: {  	(v2sf) =	vpush @!p1 v3, $0x0;
	_ =	sdelay $0xd  }
0xba: {  	s2 =	spop @!p1 (v2sf)  }
0xbb: {  	s22 =	spop @!p1 (v2sf)  }
0xbc: {  	p2 =	sne.s32 @!p1 s28, s2;
	p3 =	slt.s32 @!p1 s22, $0xF  }
0xbd: {  	[sflag:s0] =	ssyncset.done @!p1 $0x0;
	p2 =	por p2, p1;
	p3 =	por !p3, p1  }
0xbe: {  	[sflag:s0] =	ssyncadd.s32 @!p1 $0xFFFFFFFF;
	v3 =	vimm.s32 @!p2 $0xFFFFFFFF;
	s22 =	simm.s32 @p3 $0xF  }
0xbf: {  	[tilespmem:$0x80] =	vst @!p2 v3;
	s2 =	sadd.s32 @!p1 $0x90, s22  }
0xc0: {  	[spmem:s10] =	stream.linear.scatter @!p1 [tilespmem:s2], [sflag:$0x1], $0x1, $0x38;
	[tilespmem:$0x11A60] =	vst v63  }
0xc1: {  	_ =	swait.ge @!p1 [sflag:s0], $0x1  }
0xc2: {  	[sflag:s0] =	ssyncset.done @!p1 $0x0  }
0xc3: {  	s2 =	simm.s32 @!p1 $0x80;
	[sflag:s0] =	ssyncadd.s32 @!p1 $0xFFFFFFFF  }
0xc4: {  	[spmem:s15] =	stream.linear.scatter @!p1 [tilespmem:s2], [sflag:$0x1], $0x1, $0x38;
	[tilespmem:$0x11A60] =	vst v63  }
0xc5: {  	_ =	swait.ge @!p1 [sflag:s0], $0x1  }
0xc6: {  	[sflag:s0] =	ssyncset.done @!p1 $0x0  }
0xc7: {  	[sflag:s0] =	ssyncadd.s32 @!p1 $0xFFFFFFFF;
	(ifvalue) =	ssetifvalue $0xFFFFFFFF;
	v3 =	vld [tilespmem:s25+$0x10];
	_ =	sdelay $0x3  }
.Ltmp6:
0xc8: {  	_ = 	snop;
	(pc) =	sbr.rel .LBB2_9-.Ltmp6, $3  }
0xc9: {  	_ =	sdelay $0x1  }
0xca: {  	(ifvalue) =	ssetifvalue $0xFFFFFFFF  }
0xcb: {  	[hbm4b:s1+s16] =	stream.indirect_vreg.scatter [tilespmem:s26], [sflag:$0x9], $0x1, v3, vm0, $0x4038;
	[tilespmem:$0x11A60] =	vst v63  }
.LBB2_10:
0xcc: {  	_ =	sfence.sel $0x180000  }
0xcd: {  	s0 =	simm.s32 $0x7;
	[bflag:$0x0] =	sbarrier.arrive $0xFFFF  }
0xce: {  	s26 =	simm.s32 $0x8;
	[sflag:s0] =	ssyncpa.u1 $0x1  }
0xcf: {  	s28 =	simm.s32 $0x9;
	[sflag:s26] =	ssyncpa.u1 $0x1  }
0xd0: {  	[sflag:s28] =	ssyncpa.u1 $0x1  }
0xd1: {  	_ =	sfence.stream.spmem  }
0xd2: {  	s29 =	simm.s32 $0x3;
	[bflag:$0x0] =	sbarrier.arrive $0xFFFF  }
0xd3: {  	s30 =	simm.s32 $0x4;
	[sflag:s29] =	ssyncpa.u1 $0x1  }
0xd4: {  	s31 =	simm.s32 $0x3C;
	s2 =	stileid.u32;
	[sflag:s30] =	ssyncpa.u1 $0x1  }
0xd5: {  	p0 =	sne.s32 s2, $0x0;
	[sflag:s31] =	ssyncpa.u1 $0x1  }
0xd6: {  	s0 =	simm.s32 @p0 $0x1;
	_ =	sfence @p0  }
0xd7: {  	[sflag:s0] =	ssyncpa.u1 @p0 $0x1;
	s0 =	simm.s32 @p0 $0x2  }
0xd8: {  	[sflag:s0] =	ssyncpa.u1 @p0 $0x1  }
0xd9: {  	_ =	strace @p0 $0x90000047  }
0xda: {  	[bflag:$0x2] =	sbarrier.arrive @p0 $0xFFFF  }
0xdb: {  	_ =	shalt @p0  }
.LBB2_11:
0xdc: {  	_ =	sfence.stream.spmem;
	s0 =	simm.s32 $0x5  }
0xdd: {  	s2 =	simm.s32 $0x80;
	s3 =	simm.s32 $0xC0;
	[sflag:s0] =	ssyncpa.u1 $0x0  }
0xde: {  	[tilespmem:s3], [sflag:$0x5] =	stream.linear.gather [spmem:s2], $0x20, $0x38;
	[tilespmem:$0x11A60] =	vst v63  }
0xdf: {  	s2 =	simm.s32 $0x0;
	s3 =	simm.s32 $0xE0  }
0xe0: {  	[tilespmem:s3], [sflag:$0x5] =	stream.linear.gather [spmem:s2], $0x20, $0x38;
	[tilespmem:$0x11A60] =	vst v63  }
.Ltmp7:
0xe1: {  	_ = 	snop;
	(pc) =	sbr.rel .LBB2_12-.Ltmp7, $4  }
0xe2: {  	_ =	swait.ge [sflag:s0], $0x40  }
0xe3: {  	[sflag:s0] =	ssyncset.done $0x0  }
0xe4: {  	s31 =	simm.s32 $0x6;
	[sflag:s0] =	ssyncadd.s32 $0xFFFFFFC0  }
0xe5: {  	s4 =	simm.s32 $0x0;
	[sflag:s31] =	ssyncpa.u1 $0x0  }
.LBB2_17:
0xe6: {  	p0 =	sgt.u32 s5, $0xC3FF  }
0xe7: {  	s0 =	sshrl.u32 @!p0 s5, $0x3  }
0xe8: {  	s5 =	sand.u32 @!p0 $0x7, s5;
	s6 =	simm.s32 @!p0 $0xB0;
	s0 =	sadd.s32 @!p0 s1, s0  }
0xe9: {  	[tilespmem:s6], [sflag:$0x6] =	stream.linear.gather @!p0 [hbm4b:s0+s5], $0x1, $0x38;
	[tilespmem:$0x11A60] =	vst v63  }
0xea: {  	s0 =	simm.s32 @!p0 $0x6  }
0xeb: {  	_ =	swait.ge @!p0 [sflag:s0], $0x1  }
0xec: {  	[sflag:s0] =	ssyncset.done @!p0 $0x0  }
0xed: {  	[sflag:s0] =	ssyncadd.s32 @!p0 $0xFFFFFFFF  }
0xee: {  	v2 =	vmov @!p0 s4;
	v1 =	vld.msk @!p0 [tilespmem:$0xB0], $0x1;
	_ =	sdelay $0x3  }
0xef: {  	s0 =	simm.s32 @!p0 $0xE0  }
0xf0: {  	[tilespmem:v2+s0+$0x0], v1 =	vst.idx.ret.add.f32.msk @!p0 $0x1, v1  }
0xf1: {  	[tilespmem:s2+$0xC0] =	vst.msk $0x1, v0  }
0xf2: {  	v0 =	vld.msk [tilespmem:s4+$0xE0], $0x1;
	_ =	sdelay $0x4  }
0xf3: {  	[tilespmem:s2+$0xE0] =	vst.msk $0x1, v0;
	s2 =	sadd.s32 $0x1, s2  }
.LBB2_19:
0xf4: {  	s4 =	sadd.s32 $0x1, s4  }
0xf5: {  	p0 =	sne.s32 s4, $0x20  }
.Ltmp8:
0xf6: {  	_ = 	snop;
	(pc) =	sbr.rel @!p0 .LBB2_20-.Ltmp8, $1  }
0xf7: {  	_ =	sdelay $0x3  }
.LBB2_12:
0xf8: {  	v0 =	vld.msk [tilespmem:s4+$0xC0], $0x1;
	_ =	sdelay $0x4  }
0xf9: {  	(v2sf) =	vpush v0, $0x0;
	_ =	sdelay $0xe  }
0xfa: {  	s5 =	spop (v2sf)  }
0xfb: {  	p0 =	seq.s32 s5, $0xFFFFFFFF  }
.Ltmp9:
0xfc: {  	_ = 	snop;
	(pc) =	sbr.rel @p0 .LBB2_19-.Ltmp9, $1  }
0xfd: {  	_ =	sdelay $0x3  }
0xfe: {  	p0 =	slt.s32 s2, $0x1  }
.Ltmp10:
0xff: {  	_ = 	snop;
	(pc) =	sbr.rel @p0 .LBB2_17-.Ltmp10, $1  }
0x100: {  	_ =	sdelay $0x3  }
0x101: {  	s0 =	simm.s32 $0xC0;
	p0 =	por $0x0, $0x0  }
0x102: {  	v1 =	vld.msk @!p0 [tilespmem:s0+$0x0], $0x1;
	_ =	sdelay $0x4  }
0x103: {  	(v2sf) =	vpush @!p0 v1, $0x0;
	_ =	sdelay $0xd  }
0x104: {  	p2 =	sne.s32 s2, $0x1  }
.Ltmp11:
0x105: {  	s6 =	spop @!p0 (v2sf);
	(pc) =	sbr.rel @!p2 .LBB2_16-.Ltmp11, $4  }
0x106: {  	p1 =	seq.s32 @!p0 s5, s6  }
0x107: {  	s6 =	simm.s32 $0x0;
	p1 =	por !p1, p0  }
0x108: {  	s8 =	simm.s32 $0xFFFFFFFF;
	s6 =	simm.s32 @p1 $0xFFFFFFFF  }
0x109: {  	s7 =	simm.s32 $0x1;
	s6 =	smov.u32 @p0 s8  }
.LBB2_15:
0x10a: {  	s8 =	smov.u32 s6;
	p0 =	sne.s32 s6, $0xFFFFFFFF  }
0x10b: {  	s0 =	sadd.s32 $0x1, s0;
	s6 =	smov.u32 s7;
	s7 =	sadd.s32 $0x1, s7  }
0x10c: {  	p1 =	sne.s32 s2, s7;
	v1 =	vld.msk @!p0 [tilespmem:s0+$0x0], $0x1;
	_ =	sdelay $0x4  }
0x10d: {  	(v2sf) =	vpush @!p0 v1, $0x0;
	_ =	sdelay $0xe  }
.Ltmp12:
0x10e: {  	s9 =	spop @!p0 (v2sf);
	(pc) =	sbr.rel @p1 .LBB2_15-.Ltmp12, $4  }
0x10f: {  	p2 =	seq.s32 @!p0 s5, s9  }
0x110: {  	p2 =	por !p2, p0  }
0x111: {  	s6 =	simm.s32 @p2 $0xFFFFFFFF  }
0x112: {  	s6 =	smov.u32 @p0 s8  }
.LBB2_16:
0x113: {  	p0 =	sne.s32 s6, $0xFFFFFFFF  }
.Ltmp13:
0x114: {  	_ = 	snop;
	(pc) =	sbr.rel @!p0 .LBB2_17-.Ltmp13, $1  }
0x115: {  	_ =	sdelay $0x3  }
0x116: {  	v0 =	vld.msk [tilespmem:s4+$0xE0], $0x1;
	v1 =	vmov s6  }
.Ltmp14:
0x117: {  	_ = 	snop;
	(pc) =	sbr.rel .LBB2_19-.Ltmp14, $2  }
0x118: {  	_ =	sdelay $0x2  }
0x119: {  	[tilespmem:v1+s3+$0x0], v0 =	vst.idx.ret.add.f32.msk $0x1, v0  }
.LBB2_20:
0x11a: {  	p0 =	slt.s32 s2, $0x1  }
.Ltmp15:
0x11b: {  	_ = 	snop;
	(pc) =	sbr.rel @p0 .LBB2_24-.Ltmp15, $3  }
0x11c: {  	_ =	sdelay $0x1  }
0x11d: {  	s0 =	simm.s32 $0x6  }
0x11e: {  	s3 =	simm.s32 $0x0;
	[sflag:s0] =	ssyncpa.u1 $0x1  }
0x11f: {  	s0 =	simm.s32 $0xC0  }
0x120: {  	v0 =	vld.msk [tilespmem:s0+$0x0], $0x1;
	_ =	sdelay $0x4  }
0x121: {  	(v2sf) =	vpush v0, $0x0;
	_ =	sdelay $0xe  }
0x122: {  	s2 =	sadd.s32 $0xFFFFFFFF, s2;
	s4 =	spop (v2sf)  }
0x123: {  	p1 =	sne.s32 s2, $0x0;
	p0 =	sgt.u32 s4, $0xC3FF  }
.Ltmp16:
0x124: {  	s5 =	sshrl.u32 @!p0 s4, $0x3;
	(pc) =	sbr.rel @!p1 .LBB2_23-.Ltmp16, $4  }
0x125: {  	s0 =	simm.s32 $0xE0;
	s4 =	sand.u32 @!p0 $0x7, s4;
	s5 =	sadd.s32 @!p0 s1, s5  }
0x126: {  	[hbm4b:s5+s4] =	stream.linear.scatter @!p0 [tilespmem:s0], [sflag:$0x5], $0x1, $0x38;
	[tilespmem:$0x11A60] =	vst v63  }
0x127: {  	s5 =	simm.s32 $0x0  }
0x128: {  	s4 =	simm.s32 $0xC1;
	s5 =	simm.s32 @!p0 $0x4  }
.LBB2_22:
0x129: {  	v0 =	vld.msk [tilespmem:s4+$0x0], $0x1;
	s2 =	sadd.s32 $0xFFFFFFFF, s2;
	s3 =	sadd.s32 s3, s5  }
0x12a: {  	p0 =	sne.s32 s2, $0x0;
	_ =	sdelay $0x3  }
0x12b: {  	(v2sf) =	vpush v0, $0x0;
	_ =	sdelay $0xe  }
.Ltmp17:
0x12c: {  	s6 =	spop (v2sf);
	(pc) =	sbr.rel @p0 .LBB2_22-.Ltmp17, $4  }
0x12d: {  	s5 =	simm.s32 $0x0;
	p1 =	sgt.u32 s6, $0xC3FF  }
0x12e: {  	s0 =	sadd.s32 $0x1, s0;
	s5 =	simm.s32 @!p1 $0x4;
	s7 =	sshrl.u32 @!p1 s6, $0x3  }
0x12f: {  	s4 =	sadd.s32 $0x1, s4;
	s6 =	sand.u32 @!p1 $0x7, s6;
	s7 =	sadd.s32 @!p1 s1, s7  }
0x130: {  	[hbm4b:s7+s6] =	stream.linear.scatter @!p1 [tilespmem:s0], [sflag:$0x5], $0x1, $0x38;
	[tilespmem:$0x11A60] =	vst v63  }
.LBB2_23:
0x131: {  	s0 =	sadd.s32 s3, s5  }
0x132: {  	s3 =	sshrl.u32 s0, $0x2  }
.LBB2_24:
0x133: {  	s0 =	simm.s32 $0x5  }
0x134: {  	_ =	swait.ge [sflag:s0], s3  }
0x135: {  	s1 =	ssub.s32 $0x0, s3;
	[sflag:s0] =	ssyncset.done $0x0  }
0x136: {  	[sflag:s0] =	ssyncadd.s32 s1  }
0x137: {  	[sflag:s0] =	ssyncpa.u1 $0x1  }
0x138: {  	s29 =	simm.s32 $0x1;
	_ =	sfence  }
0x139: {  	s30 =	simm.s32 $0x2;
	[sflag:s29] =	ssyncpa.u1 $0x1  }
0x13a: {  	[sflag:s30] =	ssyncpa.u1 $0x1  }
0x13b: {  	_ =	strace $0x90000047  }
0x13c: {  	[bflag:$0x2] =	sbarrier.arrive $0xFFFF  }
0x13d: {  	s31 =	rddreg [dreg:$0x2]  }
0x13e: {  	s0 =	sadd.s32 $0x100000, s31  }
0x13f: {  	[sflag:s0] =	ssyncadd.tile.s32 $0x1;
	_ =	shalt  }
.Lfunc_end2:
_tile_overlayer_lowered:
.L_overlay_start_2:
0x140: {  	(tag) =	ssettag $0x2  }
0x141: {  	s0 =	rddreg [dreg:$0x0];
	s2 =	stileid.u32  }
0x142: {  	s1 =	rddreg [dreg:$0x1];
	p0 =	sne.s32 s2, $0x0  }
0x143: {  	s3 =	rddreg [dreg:$0x2];
	[bflag:$0x3] =	sbarrier.arrive $0xFFFF;
	s2 =	simm.s32 @!p0 $0x1C01  }
0x144: {  	[timem:s3], [sflag:s2] =	dma.local @!p0 [hbm:s0], s1  }
0x145: {  	s0 =	simm.s32 @!p0 $0x1  }
0x146: {  	_ =	swait.ge @!p0 [sflag:s0], s1  }
0x147: {  	s1 =	ssub.s32 @!p0 $0x0, s1;
	[sflag:s0] =	ssyncset.done @!p0 $0x0  }
0x148: {  	[sflag:s0] =	ssyncadd.s32 @!p0 s1  }
0x149: {  	[bflag:$0x3] =	sbarrier.arrive $0xFFFF  }
0x14a: {  	_ =	shalt  }

</sc_bundles>
